<compile_context>
chip_gen: v7x
topology: tpu7x:2x2x1
jax: 0.10.2.dev20260603
libtpu: 0.0.44.dev20260713+nightly
codegen_flags: <defaults>
</compile_context>

<pallas_src>
import functools

import jax
import jax.numpy as jnp
from jax import lax
from jax.experimental import pallas as pl
from jax.experimental.pallas import tpu as pltpu
from jax.experimental.pallas import tpu_sc as plsc

_D = 64
_SCALE = float(_D) ** 0.5
_NW = 32
_CHUNK = 128
_LANES = 16


def _make_kernel(n_b, n_j, n_v):
    n_bhi = n_b // _CHUNK
    nchunk = n_j * n_bhi // _NW
    mesh = plsc.VectorSubcoreMesh(core_axis_name="c", subcore_axis_name="s")

    @functools.partial(
        pl.kernel,
        mesh=mesh,
        out_type=jax.ShapeDtypeStruct((n_j, _D // 8, n_bhi, 8, _CHUNK),
                                      jnp.float32),
        scratch_types=[
            pltpu.VMEM((nchunk, _CHUNK), jnp.int32),
            pltpu.VMEM((_CHUNK, _D), jnp.float32),
            pltpu.VMEM((_CHUNK, _D), jnp.float32),
            pltpu.VMEM((_D // 8, 8, _CHUNK + 1), jnp.float32),
            pltpu.VMEM((_D // 8, 8, _CHUNK + 1), jnp.float32),
            pltpu.SemaphoreType.DMA,
            pltpu.SemaphoreType.DMA,
            pltpu.SemaphoreType.DMA,
            pltpu.SemaphoreType.DMA,
        ],
        compiler_params=pltpu.CompilerParams(use_tc_tiling_on_sc=False,
                                             needs_layout_passes=False),
    )
    def emb(idx_hbm, table_hbm, out_hbm, idx_v, rows_a, rows_b,
            stage_a, stage_b, gsem_a, gsem_b, osem_a, osem_b):
        wid = lax.axis_index("s") * 2 + lax.axis_index("c")
        base_c = wid * nchunk
        pltpu.sync_copy(idx_hbm.at[pl.ds(base_c, nchunk)], idx_v)

        iota = lax.iota(jnp.int32, _LANES)
        d_hi_vecs = [(iota + m * _LANES) // 8 for m in range(_D // _LANES)]
        d_lo_vecs = [lax.rem(iota + m * _LANES, 8) for m in range(_D // _LANES)]

        def transpose_scale(rows, stage):
            @plsc.parallel_loop(0, _CHUNK, unroll=4)
            def row_body(r):
                r_splat = jnp.broadcast_to(r, (_LANES,))
                for m in range(_D // _LANES):
                    v = rows[r, pl.ds(m * _LANES, _LANES)] * _SCALE
                    plsc.store_scatter(
                        stage, [d_hi_vecs[m], d_lo_vecs[m], r_splat], v)

        def start_gather(c_local, rows, sem):
            return pltpu.async_copy(
                table_hbm.at[idx_v.at[c_local]], rows, sem)

        def start_out(c_local, stage, sem):
            c = base_c + c_local
            j = c // n_bhi
            b_hi = lax.rem(c, n_bhi)
            return pltpu.async_copy(stage.at[:, :, pl.ds(0, _CHUNK)],
                                    out_hbm.at[j, :, b_hi], sem)

        def wait_gather(rows, sem):
            pltpu.make_async_copy(table_hbm.at[pl.ds(0, _CHUNK)], rows,
                                  sem).wait()

        def wait_out(stage, sem):
            pltpu.make_async_copy(stage.at[:, :, pl.ds(0, _CHUNK)],
                                  out_hbm.at[0, :, 0], sem).wait()

        start_gather(0, rows_a, gsem_a)

        def body(t, carry):
            a = 2 * t
            b = 2 * t + 1
            wait_gather(rows_a, gsem_a)
            start_gather(b, rows_b, gsem_b)

            @pl.when(t > 0)
            def _():
                wait_out(stage_a, osem_a)
            transpose_scale(rows_a, stage_a)
            start_out(a, stage_a, osem_a)

            wait_gather(rows_b, gsem_b)

            @pl.when(t < nchunk // 2 - 1)
            def _():
                start_gather(b + 1, rows_a, gsem_a)

            @pl.when(t > 0)
            def _():
                wait_out(stage_b, osem_b)
            transpose_scale(rows_b, stage_b)
            start_out(b, stage_b, osem_b)
            return carry

        lax.fori_loop(0, nchunk // 2, body, 0)
        wait_out(stage_a, osem_a)
        wait_out(stage_b, osem_b)

    return emb


@jax.jit
def kernel(x, table):
    n_b, n_j = x.shape
    n_v = table.shape[0]
    idx2 = x.T.reshape(n_j * (n_b // _CHUNK), _CHUNK)
    out5 = _make_kernel(n_b, n_j, n_v)(idx2, table)
    out = out5.transpose(2, 4, 0, 1, 3).reshape(n_b, n_j, _D)
    return out

# --- scband reference (transcript-rebuilt; emitter-appended) ---
"""Pipeline reference for scband-embedding-58583353917695 (READ-ONLY COPY).

The authoritative reference and input builder live on the scoring server;
editing this copy changes nothing except your own understanding.
"""

import jax, jax.numpy as jnp
import numpy as np

VOCAB = 1000000
D_MODEL = 64

def setup_inputs(seed: int = 0) -> dict:
    key = jax.random.key(seed)
    k1, k2 = jax.random.split(key)
    x = jax.random.randint(k1, (4096, 200), 0, VOCAB, dtype=jnp.int64 if jax.config.read('jax_enable_x64') else jnp.int32)
    table = jax.random.normal(k2, (VOCAB, D_MODEL), dtype=jnp.float32)
    return {"x": x, "table": table}

def reference(x, table):
    # Embedding lookup scaled by sqrt(d_model), faithful to torch module
    emb = jnp.take(table, x, axis=0)
    return emb * (D_MODEL ** 0.5)

if __name__ == "__main__":
    import jax
    _d = setup_inputs()
    print(jax.jit(kernel)(*tuple(_d.values())))

</pallas_src>

<mosaic_0001>
#map = affine_map<(d0, d1) -> (0, 0)>
#map1 = affine_map<(d0, d1) -> (0, 0, 0, 0, 0)>
module attributes {stable_mosaic.version = 14 : i64} {
  func.func @emb(%arg0: i32, %arg1: i32, %arg2: memref<6400x128xi32, #tpu.memory_space<hbm>>, %arg3: memref<1000000x64xf32, #tpu.memory_space<hbm>>, %arg4: memref<200x8x32x8x128xf32, #tpu.memory_space<hbm>>, %arg5: memref<200x128xi32, #tpu.memory_space<vmem>>, %arg6: memref<128x64xf32, #tpu.memory_space<vmem>>, %arg7: memref<128x64xf32, #tpu.memory_space<vmem>>, %arg8: memref<8x8x129xf32, #tpu.memory_space<vmem>>, %arg9: memref<8x8x129xf32, #tpu.memory_space<vmem>>, %arg10: memref<!tpu.dma_semaphore, #tpu.memory_space<semaphore_mem>>, %arg11: memref<!tpu.dma_semaphore, #tpu.memory_space<semaphore_mem>>, %arg12: memref<!tpu.dma_semaphore, #tpu.memory_space<semaphore_mem>>, %arg13: memref<!tpu.dma_semaphore, #tpu.memory_space<semaphore_mem>>) attributes {dimension_semantics = [#tpu.dimension_semantics<core_parallel>, #tpu.dimension_semantics<subcore_parallel>], iteration_bounds = array<i64: 2, 16>, scalar_prefetch = 0 : i64, scratch_operands = 9 : i64, tpu.core_type = #tpu.core_type<sc_vector_subcore>, window_params = [{transform_indices = #map}, {transform_indices = #map}, {transform_indices = #map1}]} {
    %mul3A = arith.constant 2 : i32
    %mul3A_0 = arith.muli %arg1, %mul3A : i32
    %add3A = arith.addi %mul3A_0, %arg0 : i32
    %mul3A_1 = arith.constant 200 : i32
    %mul3A_2 = arith.muli %add3A, %mul3A_1 : i32
    "tpu.region"() ({
      %run_scoped3A = tpu.sem_alloc : memref<!tpu.dma_semaphore, #tpu.memory_space<semaphore_mem>>
      %dma_start3A_205 = arith.constant 0 : i32
      %dma_start3A_206 = tpu.memref_slice %arg2[%mul3A_2, %dma_start3A_205] : memref<6400x128xi32, #tpu.memory_space<hbm>> -> memref<200x128xi32, #tpu.memory_space<hbm>>
      %dma_start3A_207 = arith.constant 0 : i32
      %dma_start3A_208 = tpu.memref_slice %arg2[%mul3A_2, %dma_start3A_207] : memref<6400x128xi32, #tpu.memory_space<hbm>> -> memref<200x128xi32, #tpu.memory_space<hbm>>
      tpu.enqueue_dma source(%dma_start3A_208 : memref<200x128xi32, #tpu.memory_space<hbm>>) target(%arg5 : memref<200x128xi32, #tpu.memory_space<vmem>>) target_semaphore(%run_scoped3A : memref<!tpu.dma_semaphore, #tpu.memory_space<semaphore_mem>>)
      %dma_wait3A_209 = arith.constant 0 : i32
      %dma_wait3A_210 = tpu.memref_slice %arg2[%mul3A_2, %dma_wait3A_209] : memref<6400x128xi32, #tpu.memory_space<hbm>> -> memref<200x128xi32, #tpu.memory_space<hbm>>
      %dma_wait3A_211 = arith.constant 0 : i32
      %dma_wait3A_212 = tpu.memref_slice %arg2[%mul3A_2, %dma_wait3A_211] : memref<6400x128xi32, #tpu.memory_space<hbm>> -> memref<200x128xi32, #tpu.memory_space<hbm>>
      tpu.wait_dma2 semaphore(%run_scoped3A : memref<!tpu.dma_semaphore, #tpu.memory_space<semaphore_mem>>) src(%dma_wait3A_212 : memref<200x128xi32, #tpu.memory_space<hbm>>) dst(%arg5 : memref<200x128xi32, #tpu.memory_space<vmem>>)
      tpu.yield
    }) : () -> ()
    %iota3A = tpu.iota {dimensions = array<i32: 0>} : vector<16xi32>
    %add3A_3 = arith.constant 0 : i32
    %add3A_4 = vector.broadcast %add3A_3 : i32 to vector<16xi32>
    %add3A_5 = arith.addi %iota3A, %add3A_4 : vector<16xi32>
    %jit3A = arith.constant 8 : i32
    %div3A = vector.broadcast %jit3A : i32 to vector<16xi32>
    %div3A_6 = arith.divsi %add3A_5, %div3A : vector<16xi32>
    %sign3A = arith.constant 0 : i32
    %sign3A_7 = vector.broadcast %sign3A : i32 to vector<16xi32>
    %sign3A_8 = arith.cmpi sgt, %add3A_5, %sign3A_7 : vector<16xi32>
    %sign3A_9 = arith.extui %sign3A_8 : vector<16xi1> to vector<16xi32>
    %sign3A_10 = arith.constant 0 : i32
    %sign3A_11 = vector.broadcast %sign3A_10 : i32 to vector<16xi32>
    %sign3A_12 = arith.cmpi slt, %add3A_5, %sign3A_11 : vector<16xi32>
    %sign3A_13 = arith.extui %sign3A_12 : vector<16xi1> to vector<16xi32>
    %sign3A_14 = arith.subi %sign3A_9, %sign3A_13 : vector<16xi32>
    %sign3A_15 = arith.constant 0 : i32
    %sign3A_16 = arith.cmpi sgt, %jit3A, %sign3A_15 : i32
    %sign3A_17 = arith.extui %sign3A_16 : i1 to i32
    %sign3A_18 = arith.constant 0 : i32
    %sign3A_19 = arith.cmpi slt, %jit3A, %sign3A_18 : i32
    %sign3A_20 = arith.extui %sign3A_19 : i1 to i32
    %sign3A_21 = arith.subi %sign3A_17, %sign3A_20 : i32
    %ne3A = vector.broadcast %sign3A_21 : i32 to vector<16xi32>
    %ne3A_22 = arith.cmpi ne, %sign3A_14, %ne3A : vector<16xi32>
    %rem3A = vector.broadcast %jit3A : i32 to vector<16xi32>
    %rem3A_23 = arith.remsi %add3A_5, %rem3A : vector<16xi32>
    %ne3A_24 = arith.constant 0 : i32
    %ne3A_25 = vector.broadcast %ne3A_24 : i32 to vector<16xi32>
    %ne3A_26 = arith.cmpi ne, %rem3A_23, %ne3A_25 : vector<16xi32>
    %and3A = arith.andi %ne3A_22, %ne3A_26 : vector<16xi1>
    %sub3A = arith.constant 1 : i32
    %sub3A_27 = vector.broadcast %sub3A : i32 to vector<16xi32>
    %sub3A_28 = arith.subi %div3A_6, %sub3A_27 : vector<16xi32>
    %select_n3A = arith.select %and3A, %sub3A_28, %div3A_6 : vector<16xi1>, vector<16xi32>
    %add3A_29 = arith.constant 16 : i32
    %add3A_30 = vector.broadcast %add3A_29 : i32 to vector<16xi32>
    %add3A_31 = arith.addi %iota3A, %add3A_30 : vector<16xi32>
    %jit3A_32 = arith.constant 8 : i32
    %div3A_33 = vector.broadcast %jit3A_32 : i32 to vector<16xi32>
    %div3A_34 = arith.divsi %add3A_31, %div3A_33 : vector<16xi32>
    %sign3A_35 = arith.constant 0 : i32
    %sign3A_36 = vector.broadcast %sign3A_35 : i32 to vector<16xi32>
    %sign3A_37 = arith.cmpi sgt, %add3A_31, %sign3A_36 : vector<16xi32>
    %sign3A_38 = arith.extui %sign3A_37 : vector<16xi1> to vector<16xi32>
    %sign3A_39 = arith.constant 0 : i32
    %sign3A_40 = vector.broadcast %sign3A_39 : i32 to vector<16xi32>
    %sign3A_41 = arith.cmpi slt, %add3A_31, %sign3A_40 : vector<16xi32>
    %sign3A_42 = arith.extui %sign3A_41 : vector<16xi1> to vector<16xi32>
    %sign3A_43 = arith.subi %sign3A_38, %sign3A_42 : vector<16xi32>
    %sign3A_44 = arith.constant 0 : i32
    %sign3A_45 = arith.cmpi sgt, %jit3A_32, %sign3A_44 : i32
    %sign3A_46 = arith.extui %sign3A_45 : i1 to i32
    %sign3A_47 = arith.constant 0 : i32
    %sign3A_48 = arith.cmpi slt, %jit3A_32, %sign3A_47 : i32
    %sign3A_49 = arith.extui %sign3A_48 : i1 to i32
    %sign3A_50 = arith.subi %sign3A_46, %sign3A_49 : i32
    %ne3A_51 = vector.broadcast %sign3A_50 : i32 to vector<16xi32>
    %ne3A_52 = arith.cmpi ne, %sign3A_43, %ne3A_51 : vector<16xi32>
    %rem3A_53 = vector.broadcast %jit3A_32 : i32 to vector<16xi32>
    %rem3A_54 = arith.remsi %add3A_31, %rem3A_53 : vector<16xi32>
    %ne3A_55 = arith.constant 0 : i32
    %ne3A_56 = vector.broadcast %ne3A_55 : i32 to vector<16xi32>
    %ne3A_57 = arith.cmpi ne, %rem3A_54, %ne3A_56 : vector<16xi32>
    %and3A_58 = arith.andi %ne3A_52, %ne3A_57 : vector<16xi1>
    %sub3A_59 = arith.constant 1 : i32
    %sub3A_60 = vector.broadcast %sub3A_59 : i32 to vector<16xi32>
    %sub3A_61 = arith.subi %div3A_34, %sub3A_60 : vector<16xi32>
    %select_n3A_62 = arith.select %and3A_58, %sub3A_61, %div3A_34 : vector<16xi1>, vector<16xi32>
    %add3A_63 = arith.constant 32 : i32
    %add3A_64 = vector.broadcast %add3A_63 : i32 to vector<16xi32>
    %add3A_65 = arith.addi %iota3A, %add3A_64 : vector<16xi32>
    %jit3A_66 = arith.constant 8 : i32
    %div3A_67 = vector.broadcast %jit3A_66 : i32 to vector<16xi32>
    %div3A_68 = arith.divsi %add3A_65, %div3A_67 : vector<16xi32>
    %sign3A_69 = arith.constant 0 : i32
    %sign3A_70 = vector.broadcast %sign3A_69 : i32 to vector<16xi32>
    %sign3A_71 = arith.cmpi sgt, %add3A_65, %sign3A_70 : vector<16xi32>
    %sign3A_72 = arith.extui %sign3A_71 : vector<16xi1> to vector<16xi32>
    %sign3A_73 = arith.constant 0 : i32
    %sign3A_74 = vector.broadcast %sign3A_73 : i32 to vector<16xi32>
    %sign3A_75 = arith.cmpi slt, %add3A_65, %sign3A_74 : vector<16xi32>
    %sign3A_76 = arith.extui %sign3A_75 : vector<16xi1> to vector<16xi32>
    %sign3A_77 = arith.subi %sign3A_72, %sign3A_76 : vector<16xi32>
    %sign3A_78 = arith.constant 0 : i32
    %sign3A_79 = arith.cmpi sgt, %jit3A_66, %sign3A_78 : i32
    %sign3A_80 = arith.extui %sign3A_79 : i1 to i32
    %sign3A_81 = arith.constant 0 : i32
    %sign3A_82 = arith.cmpi slt, %jit3A_66, %sign3A_81 : i32
    %sign3A_83 = arith.extui %sign3A_82 : i1 to i32
    %sign3A_84 = arith.subi %sign3A_80, %sign3A_83 : i32
    %ne3A_85 = vector.broadcast %sign3A_84 : i32 to vector<16xi32>
    %ne3A_86 = arith.cmpi ne, %sign3A_77, %ne3A_85 : vector<16xi32>
    %rem3A_87 = vector.broadcast %jit3A_66 : i32 to vector<16xi32>
    %rem3A_88 = arith.remsi %add3A_65, %rem3A_87 : vector<16xi32>
    %ne3A_89 = arith.constant 0 : i32
    %ne3A_90 = vector.broadcast %ne3A_89 : i32 to vector<16xi32>
    %ne3A_91 = arith.cmpi ne, %rem3A_88, %ne3A_90 : vector<16xi32>
    %and3A_92 = arith.andi %ne3A_86, %ne3A_91 : vector<16xi1>
    %sub3A_93 = arith.constant 1 : i32
    %sub3A_94 = vector.broadcast %sub3A_93 : i32 to vector<16xi32>
    %sub3A_95 = arith.subi %div3A_68, %sub3A_94 : vector<16xi32>
    %select_n3A_96 = arith.select %and3A_92, %sub3A_95, %div3A_68 : vector<16xi1>, vector<16xi32>
    %add3A_97 = arith.constant 48 : i32
    %add3A_98 = vector.broadcast %add3A_97 : i32 to vector<16xi32>
    %add3A_99 = arith.addi %iota3A, %add3A_98 : vector<16xi32>
    %jit3A_100 = arith.constant 8 : i32
    %div3A_101 = vector.broadcast %jit3A_100 : i32 to vector<16xi32>
    %div3A_102 = arith.divsi %add3A_99, %div3A_101 : vector<16xi32>
    %sign3A_103 = arith.constant 0 : i32
    %sign3A_104 = vector.broadcast %sign3A_103 : i32 to vector<16xi32>
    %sign3A_105 = arith.cmpi sgt, %add3A_99, %sign3A_104 : vector<16xi32>
    %sign3A_106 = arith.extui %sign3A_105 : vector<16xi1> to vector<16xi32>
    %sign3A_107 = arith.constant 0 : i32
    %sign3A_108 = vector.broadcast %sign3A_107 : i32 to vector<16xi32>
    %sign3A_109 = arith.cmpi slt, %add3A_99, %sign3A_108 : vector<16xi32>
    %sign3A_110 = arith.extui %sign3A_109 : vector<16xi1> to vector<16xi32>
    %sign3A_111 = arith.subi %sign3A_106, %sign3A_110 : vector<16xi32>
    %sign3A_112 = arith.constant 0 : i32
    %sign3A_113 = arith.cmpi sgt, %jit3A_100, %sign3A_112 : i32
    %sign3A_114 = arith.extui %sign3A_113 : i1 to i32
    %sign3A_115 = arith.constant 0 : i32
    %sign3A_116 = arith.cmpi slt, %jit3A_100, %sign3A_115 : i32
    %sign3A_117 = arith.extui %sign3A_116 : i1 to i32
    %sign3A_118 = arith.subi %sign3A_114, %sign3A_117 : i32
    %ne3A_119 = vector.broadcast %sign3A_118 : i32 to vector<16xi32>
    %ne3A_120 = arith.cmpi ne, %sign3A_111, %ne3A_119 : vector<16xi32>
    %rem3A_121 = vector.broadcast %jit3A_100 : i32 to vector<16xi32>
    %rem3A_122 = arith.remsi %add3A_99, %rem3A_121 : vector<16xi32>
    %ne3A_123 = arith.constant 0 : i32
    %ne3A_124 = vector.broadcast %ne3A_123 : i32 to vector<16xi32>
    %ne3A_125 = arith.cmpi ne, %rem3A_122, %ne3A_124 : vector<16xi32>
    %and3A_126 = arith.andi %ne3A_120, %ne3A_125 : vector<16xi1>
    %sub3A_127 = arith.constant 1 : i32
    %sub3A_128 = vector.broadcast %sub3A_127 : i32 to vector<16xi32>
    %sub3A_129 = arith.subi %div3A_102, %sub3A_128 : vector<16xi32>
    %select_n3A_130 = arith.select %and3A_126, %sub3A_129, %div3A_102 : vector<16xi1>, vector<16xi32>
    %add3A_131 = arith.constant 0 : i32
    %add3A_132 = vector.broadcast %add3A_131 : i32 to vector<16xi32>
    %add3A_133 = arith.addi %iota3A, %add3A_132 : vector<16xi32>
    %rem3A_134 = arith.constant 8 : i32
    %rem3A_135 = vector.broadcast %rem3A_134 : i32 to vector<16xi32>
    %rem3A_136 = arith.remsi %add3A_133, %rem3A_135 : vector<16xi32>
    %add3A_137 = arith.constant 16 : i32
    %add3A_138 = vector.broadcast %add3A_137 : i32 to vector<16xi32>
    %add3A_139 = arith.addi %iota3A, %add3A_138 : vector<16xi32>
    %rem3A_140 = arith.constant 8 : i32
    %rem3A_141 = vector.broadcast %rem3A_140 : i32 to vector<16xi32>
    %rem3A_142 = arith.remsi %add3A_139, %rem3A_141 : vector<16xi32>
    %add3A_143 = arith.constant 32 : i32
    %add3A_144 = vector.broadcast %add3A_143 : i32 to vector<16xi32>
    %add3A_145 = arith.addi %iota3A, %add3A_144 : vector<16xi32>
    %rem3A_146 = arith.constant 8 : i32
    %rem3A_147 = vector.broadcast %rem3A_146 : i32 to vector<16xi32>
    %rem3A_148 = arith.remsi %add3A_145, %rem3A_147 : vector<16xi32>
    %add3A_149 = arith.constant 48 : i32
    %add3A_150 = vector.broadcast %add3A_149 : i32 to vector<16xi32>
    %add3A_151 = arith.addi %iota3A, %add3A_150 : vector<16xi32>
    %rem3A_152 = arith.constant 8 : i32
    %rem3A_153 = vector.broadcast %rem3A_152 : i32 to vector<16xi32>
    %rem3A_154 = arith.remsi %add3A_151, %rem3A_153 : vector<16xi32>
    %dma_start3A = arith.constant 0 : i32
    %dma_start3A_155 = arith.constant 0 : i32
    %dma_start3A_156 = tpu.memref_slice %arg5[%dma_start3A, %dma_start3A_155] : memref<200x128xi32, #tpu.memory_space<vmem>> -> memref<1x128xi32, #tpu.memory_space<vmem>>
    %dma_start3A_157 = tpu.memref_squeeze %dma_start3A_156 : memref<1x128xi32, #tpu.memory_space<vmem>> -> memref<128xi32, #tpu.memory_space<vmem>>
    %dma_start3A_158 = arith.constant 0 : i32
    %dma_start3A_159 = arith.constant 0 : i32
    %dma_start3A_160 = tpu.memref_slice %arg3[%dma_start3A_158, %dma_start3A_159] : memref<1000000x64xf32, #tpu.memory_space<hbm>> -> memref<1000000x64xf32, #tpu.memory_space<hbm>>
    tpu.enqueue_indirect_dma source(%dma_start3A_160 : memref<1000000x64xf32, #tpu.memory_space<hbm>>) target(%arg6 : memref<128x64xf32, #tpu.memory_space<vmem>>) offsets(%dma_start3A_157 : memref<128xi32, #tpu.memory_space<vmem>>) semaphore(%arg10 : memref<!tpu.dma_semaphore, #tpu.memory_space<semaphore_mem>>)
    %scan3A = arith.constant 0 : i32
    %scan3A_161 = arith.constant 0 : i32
    %scan3A_162 = arith.constant 100 : i32
    %scan3A_163 = arith.addi %scan3A_161, %scan3A_162 : i32
    %scan3A_164 = arith.constant 1 : i32
    scf.for %scan3A_205 = %scan3A_161 to %scan3A_163 step %scan3A_164  : i32 {
      %mul3A_206 = arith.constant 2 : i32
      %mul3A_207 = arith.muli %mul3A_206, %scan3A_205 : i32
      %mul3A_208 = arith.constant 2 : i32
      %mul3A_209 = arith.muli %mul3A_208, %scan3A_205 : i32
      %add3A_210 = arith.constant 1 : i32
      %add3A_211 = arith.addi %mul3A_209, %add3A_210 : i32
      %dma_wait3A_212 = arith.constant 0 : i32
      %dma_wait3A_213 = arith.constant 0 : i32
      %dma_wait3A_214 = tpu.memref_slice %arg3[%dma_wait3A_212, %dma_wait3A_213] : memref<1000000x64xf32, #tpu.memory_space<hbm>> -> memref<128x64xf32, #tpu.memory_space<hbm>>
      %dma_wait3A_215 = arith.constant 0 : i32
      %dma_wait3A_216 = arith.constant 0 : i32
      %dma_wait3A_217 = tpu.memref_slice %arg3[%dma_wait3A_215, %dma_wait3A_216] : memref<1000000x64xf32, #tpu.memory_space<hbm>> -> memref<128x64xf32, #tpu.memory_space<hbm>>
      tpu.wait_dma2 semaphore(%arg10 : memref<!tpu.dma_semaphore, #tpu.memory_space<semaphore_mem>>) src(%dma_wait3A_217 : memref<128x64xf32, #tpu.memory_space<hbm>>) dst(%arg6 : memref<128x64xf32, #tpu.memory_space<vmem>>)
      %dma_start3A_218 = arith.constant 0 : i32
      %dma_start3A_219 = tpu.memref_slice %arg5[%add3A_211, %dma_start3A_218] : memref<200x128xi32, #tpu.memory_space<vmem>> -> memref<1x128xi32, #tpu.memory_space<vmem>>
      %dma_start3A_220 = tpu.memref_squeeze %dma_start3A_219 : memref<1x128xi32, #tpu.memory_space<vmem>> -> memref<128xi32, #tpu.memory_space<vmem>>
      %dma_start3A_221 = arith.constant 0 : i32
      %dma_start3A_222 = arith.constant 0 : i32
      %dma_start3A_223 = tpu.memref_slice %arg3[%dma_start3A_221, %dma_start3A_222] : memref<1000000x64xf32, #tpu.memory_space<hbm>> -> memref<1000000x64xf32, #tpu.memory_space<hbm>>
      tpu.enqueue_indirect_dma source(%dma_start3A_223 : memref<1000000x64xf32, #tpu.memory_space<hbm>>) target(%arg7 : memref<128x64xf32, #tpu.memory_space<vmem>>) offsets(%dma_start3A_220 : memref<128xi32, #tpu.memory_space<vmem>>) semaphore(%arg11 : memref<!tpu.dma_semaphore, #tpu.memory_space<semaphore_mem>>)
      %gt3A = arith.constant 0 : i32
      %gt3A_224 = arith.cmpi sgt, %scan3A_205, %gt3A : i32
      %convert_element_type3A = arith.extui %gt3A_224 : i1 to i32
      %cond3A = arith.constant 0 : i32
      %cond3A_225 = arith.cmpi ne, %convert_element_type3A, %cond3A : i32
      scf.if %cond3A_225 {
        %dma_wait3A_336 = arith.constant 0 : i32
        %dma_wait3A_337 = arith.constant 0 : i32
        %dma_wait3A_338 = arith.constant 0 : i32
        %dma_wait3A_339 = arith.constant 0 : i32
        %dma_wait3A_340 = arith.constant 0 : i32
        %dma_wait3A_341 = tpu.memref_slice %arg8[%dma_wait3A_338, %dma_wait3A_339, %dma_wait3A_340] : memref<8x8x129xf32, #tpu.memory_space<vmem>> -> memref<8x8x128xf32, #tpu.memory_space<vmem>>
        %dma_wait3A_342 = arith.constant 0 : i32
        %dma_wait3A_343 = arith.constant 0 : i32
        %dma_wait3A_344 = arith.constant 0 : i32
        %dma_wait3A_345 = tpu.memref_slice %arg4[%dma_wait3A_336, %dma_wait3A_342, %dma_wait3A_337, %dma_wait3A_343, %dma_wait3A_344] : memref<200x8x32x8x128xf32, #tpu.memory_space<hbm>> -> memref<1x8x1x8x128xf32, #tpu.memory_space<hbm>>
        %dma_wait3A_346 = tpu.memref_squeeze %dma_wait3A_345 : memref<1x8x1x8x128xf32, #tpu.memory_space<hbm>> -> memref<8x8x128xf32, #tpu.memory_space<hbm>>
        %dma_wait3A_347 = arith.constant 0 : i32
        %dma_wait3A_348 = arith.constant 0 : i32
        %dma_wait3A_349 = arith.constant 0 : i32
        %dma_wait3A_350 = tpu.memref_slice %arg4[%dma_wait3A_336, %dma_wait3A_347, %dma_wait3A_337, %dma_wait3A_348, %dma_wait3A_349] : memref<200x8x32x8x128xf32, #tpu.memory_space<hbm>> -> memref<1x8x1x8x128xf32, #tpu.memory_space<hbm>>
        %dma_wait3A_351 = tpu.memref_squeeze %dma_wait3A_350 : memref<1x8x1x8x128xf32, #tpu.memory_space<hbm>> -> memref<8x8x128xf32, #tpu.memory_space<hbm>>
        %dma_wait3A_352 = arith.constant 0 : i32
        %dma_wait3A_353 = arith.constant 0 : i32
        %dma_wait3A_354 = arith.constant 0 : i32
        %dma_wait3A_355 = tpu.memref_slice %arg8[%dma_wait3A_352, %dma_wait3A_353, %dma_wait3A_354] : memref<8x8x129xf32, #tpu.memory_space<vmem>> -> memref<8x8x128xf32, #tpu.memory_space<vmem>>
        tpu.wait_dma2 semaphore(%arg12 : memref<!tpu.dma_semaphore, #tpu.memory_space<semaphore_mem>>) src(%dma_wait3A_355 : memref<8x8x128xf32, #tpu.memory_space<vmem>>) dst(%dma_wait3A_351 : memref<8x8x128xf32, #tpu.memory_space<hbm>>)
      } else {
      }
      %parallel_loop3A = arith.constant 0 : i32
      %parallel_loop3A_226 = arith.constant 128 : i32
      %parallel_loop3A_227 = arith.constant 1 : i32
      scf.for %parallel_loop3A_336 = %parallel_loop3A to %parallel_loop3A_226 step %parallel_loop3A_227  : i32 {
        %parallel_loop3A_337 = vector.broadcast %parallel_loop3A_336 : i32 to vector<16xi32>
        %parallel_loop3A_338 = arith.index_cast %parallel_loop3A_336 : i32 to index
        %parallel_loop3A_339 = arith.constant 0 : index
        %parallel_loop3A_340 = tpu.vector_load %arg6[%parallel_loop3A_338, %parallel_loop3A_339] {strides = array<i32>} : memref<128x64xf32, #tpu.memory_space<vmem>>, vector<16xf32>,
        %parallel_loop3A_341 = arith.constant 8.000000e+00 : f32
        %parallel_loop3A_342 = vector.broadcast %parallel_loop3A_341 : f32 to vector<16xf32>
        %parallel_loop3A_343 = arith.mulf %parallel_loop3A_340, %parallel_loop3A_342 : vector<16xf32>
        tpu.vector_store_idx %arg8[%select_n3A, %rem3A_136, %parallel_loop3A_337], %parallel_loop3A_343 : memref<8x8x129xf32, #tpu.memory_space<vmem>>[vector<16xi32>, vector<16xi32>, vector<16xi32>], vector<16xf32>,
        %parallel_loop3A_344 = arith.index_cast %parallel_loop3A_336 : i32 to index
        %parallel_loop3A_345 = arith.constant 16 : index
        %parallel_loop3A_346 = tpu.vector_load %arg6[%parallel_loop3A_344, %parallel_loop3A_345] {strides = array<i32>} : memref<128x64xf32, #tpu.memory_space<vmem>>, vector<16xf32>,
        %parallel_loop3A_347 = arith.constant 8.000000e+00 : f32
        %parallel_loop3A_348 = vector.broadcast %parallel_loop3A_347 : f32 to vector<16xf32>
        %parallel_loop3A_349 = arith.mulf %parallel_loop3A_346, %parallel_loop3A_348 : vector<16xf32>
        tpu.vector_store_idx %arg8[%select_n3A_62, %rem3A_142, %parallel_loop3A_337], %parallel_loop3A_349 : memref<8x8x129xf32, #tpu.memory_space<vmem>>[vector<16xi32>, vector<16xi32>, vector<16xi32>], vector<16xf32>,
        %parallel_loop3A_350 = arith.index_cast %parallel_loop3A_336 : i32 to index
        %parallel_loop3A_351 = arith.constant 32 : index
        %parallel_loop3A_352 = tpu.vector_load %arg6[%parallel_loop3A_350, %parallel_loop3A_351] {strides = array<i32>} : memref<128x64xf32, #tpu.memory_space<vmem>>, vector<16xf32>,
        %parallel_loop3A_353 = arith.constant 8.000000e+00 : f32
        %parallel_loop3A_354 = vector.broadcast %parallel_loop3A_353 : f32 to vector<16xf32>
        %parallel_loop3A_355 = arith.mulf %parallel_loop3A_352, %parallel_loop3A_354 : vector<16xf32>
        tpu.vector_store_idx %arg8[%select_n3A_96, %rem3A_148, %parallel_loop3A_337], %parallel_loop3A_355 : memref<8x8x129xf32, #tpu.memory_space<vmem>>[vector<16xi32>, vector<16xi32>, vector<16xi32>], vector<16xf32>,
        %parallel_loop3A_356 = arith.index_cast %parallel_loop3A_336 : i32 to index
        %parallel_loop3A_357 = arith.constant 48 : index
        %parallel_loop3A_358 = tpu.vector_load %arg6[%parallel_loop3A_356, %parallel_loop3A_357] {strides = array<i32>} : memref<128x64xf32, #tpu.memory_space<vmem>>, vector<16xf32>,
        %parallel_loop3A_359 = arith.constant 8.000000e+00 : f32
        %parallel_loop3A_360 = vector.broadcast %parallel_loop3A_359 : f32 to vector<16xf32>
        %parallel_loop3A_361 = arith.mulf %parallel_loop3A_358, %parallel_loop3A_360 : vector<16xf32>
        tpu.vector_store_idx %arg8[%select_n3A_130, %rem3A_154, %parallel_loop3A_337], %parallel_loop3A_361 : memref<8x8x129xf32, #tpu.memory_space<vmem>>[vector<16xi32>, vector<16xi32>, vector<16xi32>], vector<16xf32>,
      } {sc.loop_unroll_factor = 4 : i64, sc.parallel_access}
      %add3A_228 = arith.addi %mul3A_2, %mul3A_207 : i32
      %jit3A_229 = arith.constant 32 : i32
      %div3A_230 = arith.divsi %add3A_228, %jit3A_229 : i32
      %sign3A_231 = arith.constant 0 : i32
      %sign3A_232 = arith.cmpi sgt, %add3A_228, %sign3A_231 : i32
      %sign3A_233 = arith.extui %sign3A_232 : i1 to i32
      %sign3A_234 = arith.constant 0 : i32
      %sign3A_235 = arith.cmpi slt, %add3A_228, %sign3A_234 : i32
      %sign3A_236 = arith.extui %sign3A_235 : i1 to i32
      %sign3A_237 = arith.subi %sign3A_233, %sign3A_236 : i32
      %sign3A_238 = arith.constant 0 : i32
      %sign3A_239 = arith.cmpi sgt, %jit3A_229, %sign3A_238 : i32
      %sign3A_240 = arith.extui %sign3A_239 : i1 to i32
      %sign3A_241 = arith.constant 0 : i32
      %sign3A_242 = arith.cmpi slt, %jit3A_229, %sign3A_241 : i32
      %sign3A_243 = arith.extui %sign3A_242 : i1 to i32
      %sign3A_244 = arith.subi %sign3A_240, %sign3A_243 : i32
      %ne3A_245 = arith.cmpi ne, %sign3A_237, %sign3A_244 : i32
      %rem3A_246 = arith.remsi %add3A_228, %jit3A_229 : i32
      %ne3A_247 = arith.constant 0 : i32
      %ne3A_248 = arith.cmpi ne, %rem3A_246, %ne3A_247 : i32
      %and3A_249 = arith.andi %ne3A_245, %ne3A_248 : i1
      %sub3A_250 = arith.constant 1 : i32
      %sub3A_251 = arith.subi %div3A_230, %sub3A_250 : i32
      %select_n3A_252 = arith.select %and3A_249, %sub3A_251, %div3A_230 : i32
      %rem3A_253 = arith.constant 32 : i32
      %rem3A_254 = arith.remsi %add3A_228, %rem3A_253 : i32
      %dma_start3A_255 = arith.constant 0 : i32
      %dma_start3A_256 = arith.constant 0 : i32
      %dma_start3A_257 = arith.constant 0 : i32
      %dma_start3A_258 = tpu.memref_slice %arg8[%dma_start3A_255, %dma_start3A_256, %dma_start3A_257] : memref<8x8x129xf32, #tpu.memory_space<vmem>> -> memref<8x8x128xf32, #tpu.memory_space<vmem>>
      %dma_start3A_259 = arith.constant 0 : i32
      %dma_start3A_260 = arith.constant 0 : i32
      %dma_start3A_261 = arith.constant 0 : i32
      %dma_start3A_262 = tpu.memref_slice %arg4[%select_n3A_252, %dma_start3A_259, %rem3A_254, %dma_start3A_260, %dma_start3A_261] : memref<200x8x32x8x128xf32, #tpu.memory_space<hbm>> -> memref<1x8x1x8x128xf32, #tpu.memory_space<hbm>>
      %dma_start3A_263 = tpu.memref_squeeze %dma_start3A_262 : memref<1x8x1x8x128xf32, #tpu.memory_space<hbm>> -> memref<8x8x128xf32, #tpu.memory_space<hbm>>
      %dma_start3A_264 = arith.constant 0 : i32
      %dma_start3A_265 = arith.constant 0 : i32
      %dma_start3A_266 = arith.constant 0 : i32
      %dma_start3A_267 = tpu.memref_slice %arg4[%select_n3A_252, %dma_start3A_264, %rem3A_254, %dma_start3A_265, %dma_start3A_266] : memref<200x8x32x8x128xf32, #tpu.memory_space<hbm>> -> memref<1x8x1x8x128xf32, #tpu.memory_space<hbm>>
      %dma_start3A_268 = tpu.memref_squeeze %dma_start3A_267 : memref<1x8x1x8x128xf32, #tpu.memory_space<hbm>> -> memref<8x8x128xf32, #tpu.memory_space<hbm>>
      %dma_start3A_269 = arith.constant 0 : i32
      %dma_start3A_270 = arith.constant 0 : i32
      %dma_start3A_271 = arith.constant 0 : i32
      %dma_start3A_272 = tpu.memref_slice %arg8[%dma_start3A_269, %dma_start3A_270, %dma_start3A_271] : memref<8x8x129xf32, #tpu.memory_space<vmem>> -> memref<8x8x128xf32, #tpu.memory_space<vmem>>
      tpu.enqueue_dma source(%dma_start3A_272 : memref<8x8x128xf32, #tpu.memory_space<vmem>>) target(%dma_start3A_268 : memref<8x8x128xf32, #tpu.memory_space<hbm>>) target_semaphore(%arg12 : memref<!tpu.dma_semaphore, #tpu.memory_space<semaphore_mem>>)
      %dma_wait3A_273 = arith.constant 0 : i32
      %dma_wait3A_274 = arith.constant 0 : i32
      %dma_wait3A_275 = tpu.memref_slice %arg3[%dma_wait3A_273, %dma_wait3A_274] : memref<1000000x64xf32, #tpu.memory_space<hbm>> -> memref<128x64xf32, #tpu.memory_space<hbm>>
      %dma_wait3A_276 = arith.constant 0 : i32
      %dma_wait3A_277 = arith.constant 0 : i32
      %dma_wait3A_278 = tpu.memref_slice %arg3[%dma_wait3A_276, %dma_wait3A_277] : memref<1000000x64xf32, #tpu.memory_space<hbm>> -> memref<128x64xf32, #tpu.memory_space<hbm>>
      tpu.wait_dma2 semaphore(%arg11 : memref<!tpu.dma_semaphore, #tpu.memory_space<semaphore_mem>>) src(%dma_wait3A_278 : memref<128x64xf32, #tpu.memory_space<hbm>>) dst(%arg7 : memref<128x64xf32, #tpu.memory_space<vmem>>)
      %lt3A = arith.constant 99 : i32
      %lt3A_279 = arith.cmpi slt, %scan3A_205, %lt3A : i32
      %convert_element_type3A_280 = arith.extui %lt3A_279 : i1 to i32
      %cond3A_281 = arith.constant 0 : i32
      %cond3A_282 = arith.cmpi ne, %convert_element_type3A_280, %cond3A_281 : i32
      scf.if %cond3A_282 {
        %add3A_336 = arith.constant 1 : i32
        %add3A_337 = arith.addi %add3A_211, %add3A_336 : i32
        %dma_start3A_338 = arith.constant 0 : i32
        %dma_start3A_339 = tpu.memref_slice %arg5[%add3A_337, %dma_start3A_338] : memref<200x128xi32, #tpu.memory_space<vmem>> -> memref<1x128xi32, #tpu.memory_space<vmem>>
        %dma_start3A_340 = tpu.memref_squeeze %dma_start3A_339 : memref<1x128xi32, #tpu.memory_space<vmem>> -> memref<128xi32, #tpu.memory_space<vmem>>
        %dma_start3A_341 = arith.constant 0 : i32
        %dma_start3A_342 = arith.constant 0 : i32
        %dma_start3A_343 = tpu.memref_slice %arg3[%dma_start3A_341, %dma_start3A_342] : memref<1000000x64xf32, #tpu.memory_space<hbm>> -> memref<1000000x64xf32, #tpu.memory_space<hbm>>
        tpu.enqueue_indirect_dma source(%dma_start3A_343 : memref<1000000x64xf32, #tpu.memory_space<hbm>>) target(%arg6 : memref<128x64xf32, #tpu.memory_space<vmem>>) offsets(%dma_start3A_340 : memref<128xi32, #tpu.memory_space<vmem>>) semaphore(%arg10 : memref<!tpu.dma_semaphore, #tpu.memory_space<semaphore_mem>>)
      } else {
      }
      %gt3A_283 = arith.constant 0 : i32
      %gt3A_284 = arith.cmpi sgt, %scan3A_205, %gt3A_283 : i32
      %convert_element_type3A_285 = arith.extui %gt3A_284 : i1 to i32
      %cond3A_286 = arith.constant 0 : i32
      %cond3A_287 = arith.cmpi ne, %convert_element_type3A_285, %cond3A_286 : i32
      scf.if %cond3A_287 {
        %dma_wait3A_336 = arith.constant 0 : i32
        %dma_wait3A_337 = arith.constant 0 : i32
        %dma_wait3A_338 = arith.constant 0 : i32
        %dma_wait3A_339 = arith.constant 0 : i32
        %dma_wait3A_340 = arith.constant 0 : i32
        %dma_wait3A_341 = tpu.memref_slice %arg9[%dma_wait3A_338, %dma_wait3A_339, %dma_wait3A_340] : memref<8x8x129xf32, #tpu.memory_space<vmem>> -> memref<8x8x128xf32, #tpu.memory_space<vmem>>
        %dma_wait3A_342 = arith.constant 0 : i32
        %dma_wait3A_343 = arith.constant 0 : i32
        %dma_wait3A_344 = arith.constant 0 : i32
        %dma_wait3A_345 = tpu.memref_slice %arg4[%dma_wait3A_336, %dma_wait3A_342, %dma_wait3A_337, %dma_wait3A_343, %dma_wait3A_344] : memref<200x8x32x8x128xf32, #tpu.memory_space<hbm>> -> memref<1x8x1x8x128xf32, #tpu.memory_space<hbm>>
        %dma_wait3A_346 = tpu.memref_squeeze %dma_wait3A_345 : memref<1x8x1x8x128xf32, #tpu.memory_space<hbm>> -> memref<8x8x128xf32, #tpu.memory_space<hbm>>
        %dma_wait3A_347 = arith.constant 0 : i32
        %dma_wait3A_348 = arith.constant 0 : i32
        %dma_wait3A_349 = arith.constant 0 : i32
        %dma_wait3A_350 = tpu.memref_slice %arg4[%dma_wait3A_336, %dma_wait3A_347, %dma_wait3A_337, %dma_wait3A_348, %dma_wait3A_349] : memref<200x8x32x8x128xf32, #tpu.memory_space<hbm>> -> memref<1x8x1x8x128xf32, #tpu.memory_space<hbm>>
        %dma_wait3A_351 = tpu.memref_squeeze %dma_wait3A_350 : memref<1x8x1x8x128xf32, #tpu.memory_space<hbm>> -> memref<8x8x128xf32, #tpu.memory_space<hbm>>
        %dma_wait3A_352 = arith.constant 0 : i32
        %dma_wait3A_353 = arith.constant 0 : i32
        %dma_wait3A_354 = arith.constant 0 : i32
        %dma_wait3A_355 = tpu.memref_slice %arg9[%dma_wait3A_352, %dma_wait3A_353, %dma_wait3A_354] : memref<8x8x129xf32, #tpu.memory_space<vmem>> -> memref<8x8x128xf32, #tpu.memory_space<vmem>>
        tpu.wait_dma2 semaphore(%arg13 : memref<!tpu.dma_semaphore, #tpu.memory_space<semaphore_mem>>) src(%dma_wait3A_355 : memref<8x8x128xf32, #tpu.memory_space<vmem>>) dst(%dma_wait3A_351 : memref<8x8x128xf32, #tpu.memory_space<hbm>>)
      } else {
      }
      %parallel_loop3A_288 = arith.constant 0 : i32
      %parallel_loop3A_289 = arith.constant 128 : i32
      %parallel_loop3A_290 = arith.constant 1 : i32
      scf.for %parallel_loop3A_336 = %parallel_loop3A_288 to %parallel_loop3A_289 step %parallel_loop3A_290  : i32 {
        %parallel_loop3A_337 = vector.broadcast %parallel_loop3A_336 : i32 to vector<16xi32>
        %parallel_loop3A_338 = arith.index_cast %parallel_loop3A_336 : i32 to index
        %parallel_loop3A_339 = arith.constant 0 : index
        %parallel_loop3A_340 = tpu.vector_load %arg7[%parallel_loop3A_338, %parallel_loop3A_339] {strides = array<i32>} : memref<128x64xf32, #tpu.memory_space<vmem>>, vector<16xf32>,
        %parallel_loop3A_341 = arith.constant 8.000000e+00 : f32
        %parallel_loop3A_342 = vector.broadcast %parallel_loop3A_341 : f32 to vector<16xf32>
        %parallel_loop3A_343 = arith.mulf %parallel_loop3A_340, %parallel_loop3A_342 : vector<16xf32>
        tpu.vector_store_idx %arg9[%select_n3A, %rem3A_136, %parallel_loop3A_337], %parallel_loop3A_343 : memref<8x8x129xf32, #tpu.memory_space<vmem>>[vector<16xi32>, vector<16xi32>, vector<16xi32>], vector<16xf32>,
        %parallel_loop3A_344 = arith.index_cast %parallel_loop3A_336 : i32 to index
        %parallel_loop3A_345 = arith.constant 16 : index
        %parallel_loop3A_346 = tpu.vector_load %arg7[%parallel_loop3A_344, %parallel_loop3A_345] {strides = array<i32>} : memref<128x64xf32, #tpu.memory_space<vmem>>, vector<16xf32>,
        %parallel_loop3A_347 = arith.constant 8.000000e+00 : f32
        %parallel_loop3A_348 = vector.broadcast %parallel_loop3A_347 : f32 to vector<16xf32>
        %parallel_loop3A_349 = arith.mulf %parallel_loop3A_346, %parallel_loop3A_348 : vector<16xf32>
        tpu.vector_store_idx %arg9[%select_n3A_62, %rem3A_142, %parallel_loop3A_337], %parallel_loop3A_349 : memref<8x8x129xf32, #tpu.memory_space<vmem>>[vector<16xi32>, vector<16xi32>, vector<16xi32>], vector<16xf32>,
        %parallel_loop3A_350 = arith.index_cast %parallel_loop3A_336 : i32 to index
        %parallel_loop3A_351 = arith.constant 32 : index
        %parallel_loop3A_352 = tpu.vector_load %arg7[%parallel_loop3A_350, %parallel_loop3A_351] {strides = array<i32>} : memref<128x64xf32, #tpu.memory_space<vmem>>, vector<16xf32>,
        %parallel_loop3A_353 = arith.constant 8.000000e+00 : f32
        %parallel_loop3A_354 = vector.broadcast %parallel_loop3A_353 : f32 to vector<16xf32>
        %parallel_loop3A_355 = arith.mulf %parallel_loop3A_352, %parallel_loop3A_354 : vector<16xf32>
        tpu.vector_store_idx %arg9[%select_n3A_96, %rem3A_148, %parallel_loop3A_337], %parallel_loop3A_355 : memref<8x8x129xf32, #tpu.memory_space<vmem>>[vector<16xi32>, vector<16xi32>, vector<16xi32>], vector<16xf32>,
        %parallel_loop3A_356 = arith.index_cast %parallel_loop3A_336 : i32 to index
        %parallel_loop3A_357 = arith.constant 48 : index
        %parallel_loop3A_358 = tpu.vector_load %arg7[%parallel_loop3A_356, %parallel_loop3A_357] {strides = array<i32>} : memref<128x64xf32, #tpu.memory_space<vmem>>, vector<16xf32>,
        %parallel_loop3A_359 = arith.constant 8.000000e+00 : f32
        %parallel_loop3A_360 = vector.broadcast %parallel_loop3A_359 : f32 to vector<16xf32>
        %parallel_loop3A_361 = arith.mulf %parallel_loop3A_358, %parallel_loop3A_360 : vector<16xf32>
        tpu.vector_store_idx %arg9[%select_n3A_130, %rem3A_154, %parallel_loop3A_337], %parallel_loop3A_361 : memref<8x8x129xf32, #tpu.memory_space<vmem>>[vector<16xi32>, vector<16xi32>, vector<16xi32>], vector<16xf32>,
      } {sc.loop_unroll_factor = 4 : i64, sc.parallel_access}
      %add3A_291 = arith.addi %mul3A_2, %add3A_211 : i32
      %jit3A_292 = arith.constant 32 : i32
      %div3A_293 = arith.divsi %add3A_291, %jit3A_292 : i32
      %sign3A_294 = arith.constant 0 : i32
      %sign3A_295 = arith.cmpi sgt, %add3A_291, %sign3A_294 : i32
      %sign3A_296 = arith.extui %sign3A_295 : i1 to i32
      %sign3A_297 = arith.constant 0 : i32
      %sign3A_298 = arith.cmpi slt, %add3A_291, %sign3A_297 : i32
      %sign3A_299 = arith.extui %sign3A_298 : i1 to i32
      %sign3A_300 = arith.subi %sign3A_296, %sign3A_299 : i32
      %sign3A_301 = arith.constant 0 : i32
      %sign3A_302 = arith.cmpi sgt, %jit3A_292, %sign3A_301 : i32
      %sign3A_303 = arith.extui %sign3A_302 : i1 to i32
      %sign3A_304 = arith.constant 0 : i32
      %sign3A_305 = arith.cmpi slt, %jit3A_292, %sign3A_304 : i32
      %sign3A_306 = arith.extui %sign3A_305 : i1 to i32
      %sign3A_307 = arith.subi %sign3A_303, %sign3A_306 : i32
      %ne3A_308 = arith.cmpi ne, %sign3A_300, %sign3A_307 : i32
      %rem3A_309 = arith.remsi %add3A_291, %jit3A_292 : i32
      %ne3A_310 = arith.constant 0 : i32
      %ne3A_311 = arith.cmpi ne, %rem3A_309, %ne3A_310 : i32
      %and3A_312 = arith.andi %ne3A_308, %ne3A_311 : i1
      %sub3A_313 = arith.constant 1 : i32
      %sub3A_314 = arith.subi %div3A_293, %sub3A_313 : i32
      %select_n3A_315 = arith.select %and3A_312, %sub3A_314, %div3A_293 : i32
      %rem3A_316 = arith.constant 32 : i32
      %rem3A_317 = arith.remsi %add3A_291, %rem3A_316 : i32
      %dma_start3A_318 = arith.constant 0 : i32
      %dma_start3A_319 = arith.constant 0 : i32
      %dma_start3A_320 = arith.constant 0 : i32
      %dma_start3A_321 = tpu.memref_slice %arg9[%dma_start3A_318, %dma_start3A_319, %dma_start3A_320] : memref<8x8x129xf32, #tpu.memory_space<vmem>> -> memref<8x8x128xf32, #tpu.memory_space<vmem>>
      %dma_start3A_322 = arith.constant 0 : i32
      %dma_start3A_323 = arith.constant 0 : i32
      %dma_start3A_324 = arith.constant 0 : i32
      %dma_start3A_325 = tpu.memref_slice %arg4[%select_n3A_315, %dma_start3A_322, %rem3A_317, %dma_start3A_323, %dma_start3A_324] : memref<200x8x32x8x128xf32, #tpu.memory_space<hbm>> -> memref<1x8x1x8x128xf32, #tpu.memory_space<hbm>>
      %dma_start3A_326 = tpu.memref_squeeze %dma_start3A_325 : memref<1x8x1x8x128xf32, #tpu.memory_space<hbm>> -> memref<8x8x128xf32, #tpu.memory_space<hbm>>
      %dma_start3A_327 = arith.constant 0 : i32
      %dma_start3A_328 = arith.constant 0 : i32
      %dma_start3A_329 = arith.constant 0 : i32
      %dma_start3A_330 = tpu.memref_slice %arg4[%select_n3A_315, %dma_start3A_327, %rem3A_317, %dma_start3A_328, %dma_start3A_329] : memref<200x8x32x8x128xf32, #tpu.memory_space<hbm>> -> memref<1x8x1x8x128xf32, #tpu.memory_space<hbm>>
      %dma_start3A_331 = tpu.memref_squeeze %dma_start3A_330 : memref<1x8x1x8x128xf32, #tpu.memory_space<hbm>> -> memref<8x8x128xf32, #tpu.memory_space<hbm>>
      %dma_start3A_332 = arith.constant 0 : i32
      %dma_start3A_333 = arith.constant 0 : i32
      %dma_start3A_334 = arith.constant 0 : i32
      %dma_start3A_335 = tpu.memref_slice %arg9[%dma_start3A_332, %dma_start3A_333, %dma_start3A_334] : memref<8x8x129xf32, #tpu.memory_space<vmem>> -> memref<8x8x128xf32, #tpu.memory_space<vmem>>
      tpu.enqueue_dma source(%dma_start3A_335 : memref<8x8x128xf32, #tpu.memory_space<vmem>>) target(%dma_start3A_331 : memref<8x8x128xf32, #tpu.memory_space<hbm>>) target_semaphore(%arg13 : memref<!tpu.dma_semaphore, #tpu.memory_space<semaphore_mem>>)
    }
    %scan3A_165 = arith.constant 100 : i32
    %dma_wait3A = arith.constant 0 : i32
    %dma_wait3A_166 = arith.constant 0 : i32
    %dma_wait3A_167 = arith.constant 0 : i32
    %dma_wait3A_168 = arith.constant 0 : i32
    %dma_wait3A_169 = arith.constant 0 : i32
    %dma_wait3A_170 = tpu.memref_slice %arg8[%dma_wait3A_167, %dma_wait3A_168, %dma_wait3A_169] : memref<8x8x129xf32, #tpu.memory_space<vmem>> -> memref<8x8x128xf32, #tpu.memory_space<vmem>>
    %dma_wait3A_171 = arith.constant 0 : i32
    %dma_wait3A_172 = arith.constant 0 : i32
    %dma_wait3A_173 = arith.constant 0 : i32
    %dma_wait3A_174 = tpu.memref_slice %arg4[%dma_wait3A, %dma_wait3A_171, %dma_wait3A_166, %dma_wait3A_172, %dma_wait3A_173] : memref<200x8x32x8x128xf32, #tpu.memory_space<hbm>> -> memref<1x8x1x8x128xf32, #tpu.memory_space<hbm>>
    %dma_wait3A_175 = tpu.memref_squeeze %dma_wait3A_174 : memref<1x8x1x8x128xf32, #tpu.memory_space<hbm>> -> memref<8x8x128xf32, #tpu.memory_space<hbm>>
    %dma_wait3A_176 = arith.constant 0 : i32
    %dma_wait3A_177 = arith.constant 0 : i32
    %dma_wait3A_178 = arith.constant 0 : i32
    %dma_wait3A_179 = tpu.memref_slice %arg4[%dma_wait3A, %dma_wait3A_176, %dma_wait3A_166, %dma_wait3A_177, %dma_wait3A_178] : memref<200x8x32x8x128xf32, #tpu.memory_space<hbm>> -> memref<1x8x1x8x128xf32, #tpu.memory_space<hbm>>
    %dma_wait3A_180 = tpu.memref_squeeze %dma_wait3A_179 : memref<1x8x1x8x128xf32, #tpu.memory_space<hbm>> -> memref<8x8x128xf32, #tpu.memory_space<hbm>>
    %dma_wait3A_181 = arith.constant 0 : i32
    %dma_wait3A_182 = arith.constant 0 : i32
    %dma_wait3A_183 = arith.constant 0 : i32
    %dma_wait3A_184 = tpu.memref_slice %arg8[%dma_wait3A_181, %dma_wait3A_182, %dma_wait3A_183] : memref<8x8x129xf32, #tpu.memory_space<vmem>> -> memref<8x8x128xf32, #tpu.memory_space<vmem>>
    tpu.wait_dma2 semaphore(%arg12 : memref<!tpu.dma_semaphore, #tpu.memory_space<semaphore_mem>>) src(%dma_wait3A_184 : memref<8x8x128xf32, #tpu.memory_space<vmem>>) dst(%dma_wait3A_180 : memref<8x8x128xf32, #tpu.memory_space<hbm>>)
    %dma_wait3A_185 = arith.constant 0 : i32
    %dma_wait3A_186 = arith.constant 0 : i32
    %dma_wait3A_187 = arith.constant 0 : i32
    %dma_wait3A_188 = arith.constant 0 : i32
    %dma_wait3A_189 = arith.constant 0 : i32
    %dma_wait3A_190 = tpu.memref_slice %arg9[%dma_wait3A_187, %dma_wait3A_188, %dma_wait3A_189] : memref<8x8x129xf32, #tpu.memory_space<vmem>> -> memref<8x8x128xf32, #tpu.memory_space<vmem>>
    %dma_wait3A_191 = arith.constant 0 : i32
    %dma_wait3A_192 = arith.constant 0 : i32
    %dma_wait3A_193 = arith.constant 0 : i32
    %dma_wait3A_194 = tpu.memref_slice %arg4[%dma_wait3A_185, %dma_wait3A_191, %dma_wait3A_186, %dma_wait3A_192, %dma_wait3A_193] : memref<200x8x32x8x128xf32, #tpu.memory_space<hbm>> -> memref<1x8x1x8x128xf32, #tpu.memory_space<hbm>>
    %dma_wait3A_195 = tpu.memref_squeeze %dma_wait3A_194 : memref<1x8x1x8x128xf32, #tpu.memory_space<hbm>> -> memref<8x8x128xf32, #tpu.memory_space<hbm>>
    %dma_wait3A_196 = arith.constant 0 : i32
    %dma_wait3A_197 = arith.constant 0 : i32
    %dma_wait3A_198 = arith.constant 0 : i32
    %dma_wait3A_199 = tpu.memref_slice %arg4[%dma_wait3A_185, %dma_wait3A_196, %dma_wait3A_186, %dma_wait3A_197, %dma_wait3A_198] : memref<200x8x32x8x128xf32, #tpu.memory_space<hbm>> -> memref<1x8x1x8x128xf32, #tpu.memory_space<hbm>>
    %dma_wait3A_200 = tpu.memref_squeeze %dma_wait3A_199 : memref<1x8x1x8x128xf32, #tpu.memory_space<hbm>> -> memref<8x8x128xf32, #tpu.memory_space<hbm>>
    %dma_wait3A_201 = arith.constant 0 : i32
    %dma_wait3A_202 = arith.constant 0 : i32
    %dma_wait3A_203 = arith.constant 0 : i32
    %dma_wait3A_204 = tpu.memref_slice %arg9[%dma_wait3A_201, %dma_wait3A_202, %dma_wait3A_203] : memref<8x8x129xf32, #tpu.memory_space<vmem>> -> memref<8x8x128xf32, #tpu.memory_space<vmem>>
    tpu.wait_dma2 semaphore(%arg13 : memref<!tpu.dma_semaphore, #tpu.memory_space<semaphore_mem>>) src(%dma_wait3A_204 : memref<8x8x128xf32, #tpu.memory_space<vmem>>) dst(%dma_wait3A_200 : memref<8x8x128xf32, #tpu.memory_space<hbm>>)
    return
  }
}

</mosaic_0001>

<sc_bundles>
// kernel: kernel.3.cloned.1.call-start
scs
__scs_entry_jumppad:
0x0: {  	(pc) =	sbr.rel $0x88, $3  }
0x1: {  	(tag) =	ssettag $0x0;
	lr =	simm.s32 $0x1  }
0x2: {  	[smem:$0x3F9F] =	sst lr;
	_ =	strace $0xD0000000  }
0x3: {  	_ = 	snop  }
0x4: {  	_ = 	snop  }
0x5: {  	_ = 	snop  }
0x6: {  	_ = 	snop  }
0x7: {  	_ = 	snop  }
__scs_overlays_trampoline_lowered:
0x8: {  	[smem:$0x3FAE] =	sst s0  }
0x9: {  	[smem:$0x3FAF] =	sst s1  }
0xa: {  	[smem:$0x3FB0] =	sst s2  }
0xb: {  	[smem:$0x3FB1] =	sst s3  }
0xc: {  	[smem:$0x3FB2] =	sst s4  }
0xd: {  	[smem:$0x3FB3] =	sst s5  }
0xe: {  	[smem:$0x3FB4] =	sst s6  }
0xf: {  	[smem:$0x3FB5] =	sst s7  }
0x10: {  	[smem:$0x3FB6] =	sst s8  }
0x11: {  	[smem:$0x3FB7] =	sst s9;
	s0 =	simm.s32 @!p0 $0x0  }
0x12: {  	s1 =	sld [smem:$0x3F9D];
	s0 =	simm.s32 @p0 $0x1  }
0x13: {  	[smem:$0x3FB8] =	sst s0;
	s0 =	simm.s32 @!p1 $0x0  }
0x14: {  	s2 =	sld [smem:$0x3F9C];
	s0 =	simm.s32 @p1 $0x1  }
0x15: {  	[smem:$0x3FB9] =	sst s0;
	s0 =	simm.s32 @!p2 $0x0  }
0x16: {  	s3 =	sld [smem:$0x3FDB];
	s0 =	simm.s32 @p2 $0x1  }
0x17: {  	s4 =	simm.s32 $0x1BF5;
	[smem:$0x3FBB] =	sst s0  }
0x18: {  	s0 =	sld [smem:$0x3F9E];
	_ =	swait.ge [sflag:s4], $0x0  }
0x19: {  	s7 =	sld [smem:$0x3F9F]  }
0x1a: {  	s8 =	sadd.s32 $0xFFFFE003, lr  }
0x1b: {  	s9 =	sadd.s32 $0xFFFFFEF7, lr;
	s5 =	simm.s32 $0xFFFFFFFF;
	p2 =	slt.u32 s8, $0xFFFFF086  }
0x1c: {  	p1 =	slt.u32 s9, $0xF7A;
	s5 =	simm.s32 @!p2 $0x0  }
0x1d: {  	s5 =	simm.s32 @p1 $0x1;
	p0 =	seq.s32 s7, s2  }
0x1e: {  	s7 =	smul.u32 @!p0 $0xF7A, s2;
	p2 =	seq.s32 @!p0 s5, $0x0  }
0x1f: {  	s9 =	smul.u32 $0xF7A, s1;
	s8 =	simm.s32 @!p0 $0x1BF5;
	p2 =	por !p2, p0  }
0x20: {  	[sflag:s8] =	ssyncset.s32 @!p0 $0xFFFFF086;
	s6 =	sadd.s32 @!p0 s3, s7;
	s7 =	simm.s32 @!p0 $0x108  }
0x21: {  	s3 =	sadd.s32 s3, s9;
	s6 =	sadd.s32 @!p0 $0x88, s6;
	s7 =	simm.s32 @p2 $0x1082  }
0x22: {  	[simem:s7], [sflag:s8] =	dma.local @!p0 [hbm:s6], $0xF7A  }
0x23: {  	s9 =	sor.u32 $0xD0000000, s2;
	s6 =	simm.s32 $0x108;
	_ =	swait.ge @!p0 [sflag:s8], $0x0  }
0x24: {  	s3 =	sadd.s32 $0x88, s3;
	s6 =	simm.s32 @!p1 $0x1082;
	[sflag:s4] =	ssyncset.s32 $0xFFFFF086  }
0x25: {  	[simem:s6], [sflag:s4] =	dma.local [hbm:s3], $0xF7A  }
0x26: {  	[smem:$0x3F9F] =	sst s1;
	(tag) =	ssettag s2;
	_ =	strace s9  }
0x27: {  	s1 =	sld [smem:$0x3FAF]  }
0x28: {  	s2 =	sld [smem:$0x3FB0]  }
0x29: {  	s4 =	sld [smem:$0x3FB2]  }
0x2a: {  	p0 =	seq.s32 s5, $0x0;
	s5 =	sld [smem:$0x3FB3]  }
0x2b: {  	s6 =	sld [smem:$0x3FB4]  }
0x2c: {  	s7 =	sld [smem:$0x3FB5]  }
0x2d: {  	s3 =	simm.s32 $0x108;
	s8 =	sld [smem:$0x3FB6]  }
0x2e: {  	s3 =	simm.s32 @!p0 $0x1082;
	s9 =	sld [smem:$0x3FB7]  }
0x2f: {  	lr =	sadd.s32 s0, s3;
	s0 =	sld [smem:$0x3FAE]  }
0x30: {  	s3 =	sld [smem:$0x3FB1]  }
0x31: {  	[smem:$0x3FBA] =	sst s10  }
0x32: {  	s10 =	sld [smem:$0x3FB8];
	_ =	sdelay $0x3  }
0x33: {  	p0 =	seq.s32 s10, $0x1;
	s10 =	sld [smem:$0x3FBA];
	_ =	sdelay $0x3  }
0x34: {  	[smem:$0x3FBA] =	sst s10  }
0x35: {  	s10 =	sld [smem:$0x3FB9];
	_ =	sdelay $0x3  }
0x36: {  	p1 =	seq.s32 s10, $0x1;
	s10 =	sld [smem:$0x3FBA];
	_ =	sdelay $0x3  }
0x37: {  	[smem:$0x3FBA] =	sst s10  }
0x38: {  	s10 =	sld [smem:$0x3FBB]  }
0x39: {  	_ = 	snop;
	(pc) =	sbr.ind lr, $3  }
0x3a: {  	_ = 	snop  }
0x3b: {  	_ = 	snop  }
0x3c: {  	p2 =	seq.s32 s10, $0x1;
	s10 =	sld [smem:$0x3FBA]  }
0x3d: {  	_ =	shalt  }
0x3e: {  	_ =	shalt  }
0x3f: {  	_ =	shalt  }
0x40: {  	_ =	shalt  }
0x41: {  	_ =	shalt  }
0x42: {  	_ =	shalt  }
0x43: {  	_ =	shalt  }
0x44: {  	_ =	shalt  }
0x45: {  	_ =	shalt  }
0x46: {  	_ =	shalt  }
0x47: {  	_ =	shalt  }
0x48: {  	_ =	shalt  }
0x49: {  	_ =	shalt  }
0x4a: {  	_ =	shalt  }
0x4b: {  	_ =	shalt  }
0x4c: {  	_ =	shalt  }
0x4d: {  	_ =	shalt  }
0x4e: {  	_ =	shalt  }
0x4f: {  	_ =	shalt  }
0x50: {  	_ =	shalt  }
0x51: {  	_ =	shalt  }
0x52: {  	_ =	shalt  }
0x53: {  	_ =	shalt  }
0x54: {  	_ =	shalt  }
0x55: {  	_ =	shalt  }
0x56: {  	_ =	shalt  }
0x57: {  	_ =	shalt  }
0x58: {  	_ =	shalt  }
0x59: {  	_ =	shalt  }
0x5a: {  	_ =	shalt  }
0x5b: {  	_ =	shalt  }
0x5c: {  	_ =	shalt  }
0x5d: {  	_ =	shalt  }
0x5e: {  	_ =	shalt  }
0x5f: {  	_ =	shalt  }
0x60: {  	_ =	shalt  }
0x61: {  	_ =	shalt  }
0x62: {  	_ =	shalt  }
0x63: {  	_ =	shalt  }
0x64: {  	_ =	shalt  }
0x65: {  	_ =	shalt  }
0x66: {  	_ =	shalt  }
0x67: {  	_ =	shalt  }
0x68: {  	_ =	shalt  }
0x69: {  	_ =	shalt  }
0x6a: {  	_ =	shalt  }
0x6b: {  	_ =	shalt  }
0x6c: {  	_ =	shalt  }
0x6d: {  	_ =	shalt  }
0x6e: {  	_ =	shalt  }
0x6f: {  	_ =	shalt  }
0x70: {  	_ =	shalt  }
0x71: {  	_ =	shalt  }
0x72: {  	_ =	shalt  }
0x73: {  	_ =	shalt  }
0x74: {  	_ =	shalt  }
0x75: {  	_ =	shalt  }
0x76: {  	_ =	shalt  }
0x77: {  	_ =	shalt  }
0x78: {  	_ =	shalt  }
0x79: {  	_ =	shalt  }
0x7a: {  	_ =	shalt  }
0x7b: {  	_ =	shalt  }
0x7c: {  	_ =	shalt  }
0x7d: {  	_ =	shalt  }
0x7e: {  	_ =	shalt  }
0x7f: {  	_ =	shalt  }
0x80: {  	_ =	shalt  }
0x81: {  	_ =	shalt  }
0x82: {  	_ =	shalt  }
0x83: {  	_ =	shalt  }
0x84: {  	_ =	shalt  }
0x85: {  	_ =	shalt  }
0x86: {  	_ =	shalt  }
0x87: {  	_ =	shalt  }
.Lfunc_end0:
.L_simem_size_0:
called_computation_lowered:
.L_overlay_start_0:
0x88: {  	s2 =	sld [smem:$0x3FD9]  }
0x89: {  	s3 =	sld [smem:$0x3FFE];
	_ =	sdelay $0x1  }
0x8a: {  	s1 =	srdreg.scid  }
0x8b: {  	s0 =	sand.u32 $0x1, s1  }
0x8c: {  	s17 =	sshll.u32 s0, $0xA;
	s2 =	sadd.s32 s3, s2  }
0x8d: {  	s2 =	sadd.s32 s2, s17  }
0x8e: {  	[smem:$0x3FC6] =	sst s2  }
0x8f: {  	_ = 	snop  }
0x90: {  	s2 =	sld [smem:$0x3FD0];
	(tm) =	ssettm $0x1  }
0x91: {  	s18 =	sld [smem:$0x3FFB];
	_ =	sdelay $0x3  }
0x92: {  	_ =	strace s18  }
0x93: {  	s3 =	sld [smem:$0x3FFC];
	_ =	sdelay $0x3  }
0x94: {  	_ =	strace s3  }
0x95: {  	s3 =	sld [smem:$0x3FFD];
	_ =	sdelay $0x3  }
0x96: {  	_ =	strace s3  }
0x97: {  	_ =	strace $0x8FFFFFFF  }
0x98: {  	s19 =	sld [smem:$0x3FDB];
	_ =	sdelay $0x1  }
0x99: {  	s4 =	simm.s32 $_scs_section_size  }
0x9a: {  	s5 =	simm.s32 $_size__tile_overlayer_lowered;
	s6 =	simm.s32 $_tile_overlayer_lowered  }
0x9b: {  	s22 =	simm.s32 $0x1BFF;
	s21 =	sshll.u32 s6, $0x1;
	s3 =	sadd.s32 s4, s19  }
0x9c: {  	s7 =	simm.s32 $0x0;
	s20 =	sshll.u32 s5, $0x1;
	s5 =	sadd.s32 s21, s3  }
0x9d: {  	[timem:s7], [sflag:s22] =	dma.local [hbm:s5], s20  }
0x9e: {  	_ =	swait.ge [sflag:s22], s20  }
0x9f: {  	s4 =	ssub.s32 $0x0, s20;
	[sflag:s22] =	ssyncset.done $0x0  }
0xa0: {  	[sflag:s22] =	ssyncadd.s32 s4;
	_ =	sdelay $0x1  }
0xa1: {  	s23 =	simm.s32 $0x1B8B  }
0xa2: {  	_ =	swait.ge [sflag:s23], $0x1  }
0xa3: {  	[sflag:s23] =	ssyncset.done $0x0  }
0xa4: {  	s25 =	simm.s32 $0x1B8E;
	s24 =	sld [smem:$0x3FFE];
	[sflag:s23] =	ssyncadd.s32 $0xFFFFFFFF  }
0xa5: {  	s26 =	simm.s32 $execute0_lowered;
	[smem:$0x3FD2] =	sst s25  }
0xa6: {  	s5 =	sshll.u32 s26, $0x1;
	_ =	strace $0x80000046;
	[dreg:$0x1] =	wrdreg $0xFFFFFFFF  }
0xa7: {  	s28 =	simm.s32 $_size_execute0_lowered;
	s3 =	sadd.s32 s3, s5;
	[dreg:$0x0] =	wrdreg $0x0  }
0xa8: {  	s5 =	sshll.u32 s28, $0x1;
	[dreg:$0x2] =	wrdreg s3  }
0xa9: {  	[dreg:$0x3] =	wrdreg s5  }
0xaa: {  	[dreg:$0x4] =	wrdreg $0xC0  }
0xab: {  	_ =	task [dreg:s7], $0x5FFFF  }
0xac: {  	[dreg:$0x1] =	wrdreg $0xFFFFFFFF  }
0xad: {  	[dreg:$0x0] =	wrdreg $0x60  }
0xae: {  	[dreg:$0x2] =	wrdreg s24  }
0xaf: {  	[dreg:$0x3] =	wrdreg s2  }
0xb0: {  	[dreg:$0x4] =	wrdreg $0x9  }
0xb1: {  	_ =	task.clear_ibuf [dreg:s7], $0x5FFFF;
	_ =	strace $0x90000046  }
0xb2: {  	s29 =	simm.s32 $0x9;
	_ =	strace $0x80000048  }
0xb3: {  	_ =	swait.ge [sflag:s29], $0x1  }
0xb4: {  	[sflag:s29] =	ssyncadd.s32 $0xFFFFFFFF  }
0xb5: {  	_ =	strace $0x90000048  }
0xb6: {  	_ =	sfence  }
0xb7: {  	s30 =	sld [smem:$0x0];
	_ =	sdelay $0x2  }
0xb8: {  	s31 =	sshll.u32 s1, $0xD;
	s1 =	sshrl.u32 s1, $0x2  }
0xb9: {  	s3 =	sand.u32 $0x4000, s31;
	s1 =	sadd.s32 s1, s30  }
0xba: {  	s0 =	sor.u32 s3, s0;
	s1 =	sshll.u32 s1, $0x11  }
0xbb: {  	s0 =	sor.u32 s1, s0  }
0xbc: {  	s0 =	sadd.s32 $0x8F2B, s0  }
0xbd: {  	[sflag:s0] =	ssyncadd.remote.s32 $0x1  }
0xbe: {  	_ =	sfence.sel $0xFFFF  }
0xbf: {  	[dreg:$0x0] =	wrdreg $0xFFFFFFFF;
	(pc) =	sbr.abs _section_cstart, $3  }
0xc0: {  	[dreg:$0x1] =	wrdreg $0xFFFFFFFF  }
0xc1: {  	_ =	task.clear_ibuf [dreg:s7], $0x2FFFF;
	_ =	strace $0x9FFFFFFF  }
0xc2: {  	(tm) =	ssettm $0x7FFFFFFF  }
0xc3: {  	_ =	shalt  }
tec
execute0_lowered:
.L_overlay_start_1:
0x0: {  	(tag) =	ssettag $0x1  }
0x1: {  	s4 =	rddreg [dreg:$0x0];
	s1 =	srdreg.scid  }
0x2: {  	s0 =	stileid.u32;
	s2 =	rddreg [dreg:$0x1]  }
0x3: {  	s3 =	simm.s32 $0x0;
	s9 =	simm.s32 $0x80;
	s10 =	simm.s32 $0x6400  }
0x4: {  	s11 =	simm.s32 $0x1;
	s12 =	simm.s32 $0x8400;
	s13 =	simm.s32 $0xA400  }
0x5: {  	s14 =	simm.s32 $0x2;
	s15 =	simm.s32 $0xC600;
	s16 =	simm.s32 $0x3  }
0x6: {  	s17 =	simm.s32 $0x4;
	s5 =	sand.u32 $0x1, s1;
	s6 =	sshll.u32 s0, $0x1  }
0x7: {  	s18 =	simm.s32 $0x0;
	s6 =	sor.u32 s5, s6;
	s5 =	ssub.s32 $0x2, s5  }
0x8: {  	v0 =	vlaneseq.u32;
	[smem:$0x7FF] =	sst s3;
	s7 =	smul.u32 $0xC80, s6;
	s8 =	sshrl.u32 s5, $0x1  }
0x9: {  	s1 =	rddreg [dreg:$0x2];
	v0 =	vmul.u32 $0x88, v0;
	_ =	strace $0x80000047;
	s8 =	ssub.s32 s5, s8  }
0xa: {  	s5 =	smul.u32 $0xC8, s6;
	s7 =	sadd.s32 s7, s4;
	s4 =	sadd.s32 $0xF42A00, s4  }
0xb: {  	v1 =	vadd.s32 $0x880, v0;
	v2 =	vadd.s32 $0x1100, v0;
	v3 =	vadd.s32 $0x1980, v0;
	s6 =	sadd.s32 $0x600, s7;
	s7 =	smax.u32 s8, $0x1;
	s8 =	simm.s32 $0x5  }
.LBB2_1:
0xc: {  	[tilespmem:s3], [sflag:$0x5] =	stream.linear.gather [hbm4b:s6+s3], $0x6400, $0x38;
	[tilespmem:$0xE800] =	vst v63  }
0xd: {  	_ =	swait.ge [sflag:s8], $0x6400  }
0xe: {  	[sflag:s8] =	ssyncset.done $0x0  }
0xf: {  	s19 =	simm.s32 $0x0;
	[sflag:s8] =	ssyncadd.s32 $0xFFFF9C00  }
0x10: {  	[tilespmem:s10], [sflag:$0x1] =	stream.indirect.gather [hbm4b:s4+s9], $0x40, s3, s9, $0xb8;
	[tilespmem:$0xE800] =	vst v63  }
.LBB2_2:
0x11: {  	s20 =	sshllo.u32 s19, $0x1;
	_ =	swait.ge [sflag:s11], $0x2000  }
0x12: {  	[sflag:s11] =	ssyncset.done $0x0;
	s21 =	sshll.u32 s20, $0x7  }
0x13: {  	p0 =	seq.s32 s19, $0x0;
	[sflag:s11] =	ssyncadd.s32 $0xFFFFE000;
	s21 =	sand.u32 $0x3FFFFF80, s21  }
0x14: {  	[tilespmem:s12], [sflag:$0x2] =	stream.indirect.gather [hbm4b:s4+s9], $0x40, s21, s9, $0xb8;
	[tilespmem:$0xE800] =	vst v63  }
0x15: {  	s21 =	simm.s32 @!p0 $0x3  }
0x16: {  	_ =	swait.ge @!p0 [sflag:s21], $0x2000  }
0x17: {  	[sflag:s21] =	ssyncset.done @!p0 $0x0  }
0x18: {  	s22 =	simm.s32 $0x6480;
	s25 =	simm.s32 $0x3;
	[sflag:s21] =	ssyncadd.s32 @!p0 $0xFFFFE000  }
0x19: {  	v4 =	vmov s25;
	v5 =	vld [tilespmem:s22+$0x40]  }
0x1a: {  	v9 =	vand.u32 $0x7F, v4  }
0x1b: {  	s26 =	simm.s32 $0x0;
	v4 =	vadd.s32 v0, v9  }
0x1c: {  	s28 =	simm.s32 $0x1;
	s23 =	simm.s32 $0x2;
	v6 =	vmov s26;
	v7 =	vld [tilespmem:s22+$0xFFFFFF80]  }
0x1d: {  	v11 =	vmov s23;
	v8 =	vand.u32 $0x7C, v6;
	v6 =	vmov s28;
	v10 =	vld [tilespmem:s22+$0xFFFFFFC0]  }
0x1e: {  	v12 =	vadd.s32 v0, v8;
	v15 =	vand.u32 $0x7D, v6;
	v6 =	vld [tilespmem:s22+$0x0];
	v5 =	vmul.f32 $8.000000000e+00, v5  }
0x1f: {  	v17 =	vand.u32 $0x7E, v11;
	v13 =	vadd.s32 v0, v15  }
0x20: {  	v11 =	vadd.s32 v0, v17;
	[tilespmem:v4+s13+$0x0] =	vst.idx.msk $0xffff, v5  }
0x21: {  	v4 =	vmul.f32 $8.000000000e+00, v7;
	v5 =	vld [tilespmem:s22+$0x50]  }
0x22: {  	v7 =	vmul.f32 $8.000000000e+00, v10  }
0x23: {  	[tilespmem:v12+s13+$0x0] =	vst.idx.msk $0xffff, v4;
	v4 =	vmul.f32 $8.000000000e+00, v6;
	v6 =	vadd.s32 v1, v9  }
0x24: {  	[tilespmem:v13+s13+$0x0] =	vst.idx.msk $0xffff, v7;
	v10 =	vld [tilespmem:s22+$0xFFFFFF90]  }
0x25: {  	v7 =	vld [tilespmem:s22+$0xFFFFFFD0];
	[tilespmem:v11+s13+$0x0] =	vst.idx.msk $0xffff, v4  }
0x26: {  	v11 =	vld [tilespmem:s22+$0x10];
	v4 =	vmul.f32 $8.000000000e+00, v5  }
0x27: {  	s29 =	simm.s32 $0x4;
	s24 =	simm.s32 $0x7;
	s21 =	simm.s32 $0x6580;
	v12 =	vadd.s32 v1, v15  }
0x28: {  	v14 =	vld [tilespmem:s21+$0x40];
	v13 =	vadd.s32 v1, v17;
	v5 =	vmov s29;
	[tilespmem:v6+s13+$0x0] =	vst.idx.msk $0xffff, v4;
	v6 =	vmov s24  }
0x29: {  	v16 =	vadd.s32 v1, v8;
	v4 =	vand.u32 $0x7C, v5;
	v5 =	vand.u32 $0x7F, v6;
	v18 =	vld [tilespmem:s22+$0x60]  }
0x2a: {  	s30 =	simm.s32 $0x5;
	v22 =	vadd.s32 v2, v9;
	v19 =	vld [tilespmem:s21+$0xFFFFFF80];
	v6 =	vmul.f32 $8.000000000e+00, v7;
	v20 =	vadd.s32 v0, v5  }
0x2b: {  	s31 =	simm.s32 $0x6;
	v21 =	vld [tilespmem:s21+$0xFFFFFFC0];
	v10 =	vmul.f32 $8.000000000e+00, v10;
	v7 =	vmul.f32 $8.000000000e+00, v11;
	v11 =	vmov s30  }
0x2c: {  	v23 =	vadd.s32 v0, v4;
	[tilespmem:v12+s13+$0x0] =	vst.idx.msk $0xffff, v6;
	v12 =	vmov s31;
	v6 =	vand.u32 $0x7D, v11;
	v11 =	vld [tilespmem:s21+$0x0]  }
0x2d: {  	[tilespmem:v13+s13+$0x0] =	vst.idx.msk $0xffff, v7;
	v13 =	vadd.s32 v0, v6;
	v7 =	vand.u32 $0x7E, v12;
	v12 =	vmul.f32 $8.000000000e+00, v14;
	v14 =	vld [tilespmem:s22+$0xFFFFFFE0]  }
0x2e: {  	[tilespmem:v16+s13+$0x0] =	vst.idx.msk $0xffff, v10;
	v10 =	vadd.s32 v0, v7;
	v16 =	vld [tilespmem:s22+$0x20];
	v18 =	vmul.f32 $8.000000000e+00, v18  }
0x2f: {  	v19 =	vmul.f32 $8.000000000e+00, v19;
	[tilespmem:v20+s13+$0x0] =	vst.idx.msk $0xffff, v12;
	v12 =	vld [tilespmem:s22+$0xFFFFFFA0];
	v20 =	vadd.s32 v2, v15  }
0x30: {  	v25 =	vadd.s32 v2, v17;
	v21 =	vmul.f32 $8.000000000e+00, v21;
	v24 =	vld [tilespmem:s21+$0x50];
	[tilespmem:v22+s13+$0x0] =	vst.idx.msk $0xffff, v18  }
0x31: {  	[tilespmem:v23+s13+$0x0] =	vst.idx.msk $0xffff, v19;
	v19 =	vadd.s32 v2, v8;
	v11 =	vmul.f32 $8.000000000e+00, v11;
	v22 =	vld [tilespmem:s22+$0x70]  }
0x32: {  	v23 =	vld [tilespmem:s21+$0xFFFFFF90];
	[tilespmem:v13+s13+$0x0] =	vst.idx.msk $0xffff, v21;
	v21 =	vadd.s32 v1, v5;
	v14 =	vmul.f32 $8.000000000e+00, v14  }
0x33: {  	v27 =	vadd.s32 v3, v9;
	v26 =	vld [tilespmem:s21+$0xFFFFFFD0];
	[tilespmem:v10+s13+$0x0] =	vst.idx.msk $0xffff, v11;
	v10 =	vmul.f32 $8.000000000e+00, v16  }
0x34: {  	v18 =	vadd.s32 v1, v4;
	v13 =	vld [tilespmem:s21+$0x10];
	v9 =	vmul.f32 $8.000000000e+00, v12;
	[tilespmem:v20+s13+$0x0] =	vst.idx.msk $0xffff, v14  }
0x35: {  	s24 =	simm.s32 $0x8;
	v16 =	vadd.s32 v1, v6;
	[tilespmem:v25+s13+$0x0] =	vst.idx.msk $0xffff, v10;
	v14 =	vmul.f32 $8.000000000e+00, v24;
	v12 =	vld [tilespmem:s22+$0xFFFFFFF0]  }
0x36: {  	v20 =	vmov s24;
	v10 =	vadd.s32 v1, v7;
	v11 =	vld [tilespmem:s22+$0x30];
	[tilespmem:v19+s13+$0x0] =	vst.idx.msk $0xffff, v9;
	v63 =	vmul.f32 $8.000000000e+00, v22  }
0x37: {  	s25 =	simm.s32 $0xB;
	s23 =	simm.s32 $0x6680;
	v15 =	vadd.s32 v3, v15;
	v9 =	vand.u32 $0x7C, v20;
	v20 =	vmul.f32 $8.000000000e+00, v23;
	[tilespmem:v21+s13+$0x0] =	vst.idx.msk $0xffff, v14;
	v14 =	vld [tilespmem:s22+$0xFFFFFFB0]  }
0x38: {  	v17 =	vadd.s32 v3, v17;
	v22 =	vmov s25;
	v19 =	vld [tilespmem:s23+$0x40];
	s25 =	simm.s32 $0xC;
	s22 =	sshll.u32 s19, $0x1;
	v21 =	vmul.f32 $8.000000000e+00, v26;
	[tilespmem:v27+s13+$0x0] =	vst.idx.msk $0xffff, v63  }
.LBB2_3:
0x39: {  	p0 =	slt.u32 s25, $0x7C;
	s26 =	sadd.s32 $0x1, s24;
	v22 =	vand.u32 $0x7F, v22;
	[tilespmem:v18+s13+$0x0] =	vst.idx.msk $0xffff, v20;
	v13 =	vmul.f32 $8.000000000e+00, v13;
	v18 =	vld [tilespmem:s21+$0x60];
	v20 =	vadd.s32 v3, v8;
	v8 =	vmovc v4  }
0x3a: {  	v4 =	vmovc v9;
	v23 =	vld [tilespmem:s23+$0xFFFFFF80];
	v24 =	vmov s26;
	s26 =	sadd.s32 $0x2, s24;
	v25 =	vadd.s32 v0, v22;
	[tilespmem:v16+s13+$0x0] =	vst.idx.msk $0xffff, v21;
	v12 =	vmul.f32 $8.000000000e+00, v12;
	s24 =	smov.u32 s25  }
0x3b: {  	v9 =	vld [tilespmem:s23+$0xFFFFFFC0];
	v16 =	vmov s26;
	[tilespmem:v10+s13+$0x0] =	vst.idx.msk $0xffff, v13;
	v10 =	vadd.s32 v2, v5;
	v11 =	vmul.f32 $8.000000000e+00, v11  }
0x3c: {  	v13 =	vadd.s32 v0, v4;
	v21 =	vand.u32 $0x7D, v24;
	v24 =	vld [tilespmem:s23+$0x0];
	v14 =	vmul.f32 $8.000000000e+00, v14;
	[tilespmem:v15+s13+$0x0] =	vst.idx.msk $0xffff, v12  }
0x3d: {  	v12 =	vadd.s32 v0, v21;
	v26 =	vand.u32 $0x7E, v16;
	v15 =	vmul.f32 $8.000000000e+00, v19;
	v16 =	vld [tilespmem:s21+$0xFFFFFFE0];
	[tilespmem:v17+s13+$0x0] =	vst.idx.msk $0xffff, v11  }
0x3e: {  	v11 =	vadd.s32 v0, v26;
	v17 =	vld [tilespmem:s21+$0x20];
	v18 =	vmul.f32 $8.000000000e+00, v18;
	[tilespmem:v20+s13+$0x0] =	vst.idx.msk $0xffff, v14  }
0x3f: {  	v19 =	vadd.s32 v2, v6;
	v14 =	vmul.f32 $8.000000000e+00, v23;
	[tilespmem:v25+s13+$0x0] =	vst.idx.msk $0xffff, v15;
	v15 =	vld [tilespmem:s21+$0xFFFFFFA0]  }
0x40: {  	v23 =	vadd.s32 v2, v7;
	v9 =	vmul.f32 $8.000000000e+00, v9;
	v20 =	vld [tilespmem:s23+$0x50];
	[tilespmem:v10+s13+$0x0] =	vst.idx.msk $0xffff, v18  }
0x41: {  	[tilespmem:v13+s13+$0x0] =	vst.idx.msk $0xffff, v14;
	v10 =	vmul.f32 $8.000000000e+00, v24;
	v14 =	vadd.s32 v2, v8;
	v24 =	vld [tilespmem:s21+$0x70]  }
0x42: {  	v27 =	vadd.s32 v1, v22;
	v25 =	vld [tilespmem:s23+$0xFFFFFF90];
	[tilespmem:v12+s13+$0x0] =	vst.idx.msk $0xffff, v9;
	v9 =	vmul.f32 $8.000000000e+00, v16  }
0x43: {  	v29 =	vadd.s32 v3, v5;
	v5 =	vmov v22;
	v28 =	vld [tilespmem:s23+$0xFFFFFFD0];
	[tilespmem:v11+s13+$0x0] =	vst.idx.msk $0xffff, v10;
	v10 =	vmul.f32 $8.000000000e+00, v17  }
.Ltmp0:
0x44: {  	v18 =	vadd.s32 v1, v4;
	v13 =	vld [tilespmem:s23+$0x10];
	v11 =	vmul.f32 $8.000000000e+00, v15;
	[tilespmem:v19+s13+$0x0] =	vst.idx.msk $0xffff, v9;
	(pc) =	sbr.rel @p0 .LBB2_3-.Ltmp0, $4  }
0x45: {  	v16 =	vadd.s32 v1, v21;
	v15 =	vmul.f32 $8.000000000e+00, v20;
	v12 =	vld [tilespmem:s21+$0xFFFFFFF0];
	[tilespmem:v23+s13+$0x0] =	vst.idx.msk $0xffff, v10  }
0x46: {  	v9 =	vmov s25;
	v10 =	vadd.s32 v1, v26;
	[tilespmem:v14+s13+$0x0] =	vst.idx.msk $0xffff, v11;
	v11 =	vld [tilespmem:s21+$0x30];
	v23 =	vmul.f32 $8.000000000e+00, v24  }
0x47: {  	s26 =	sadd.s32 $0x3, s25;
	v9 =	vand.u32 $0x7C, v9;
	v20 =	vmul.f32 $8.000000000e+00, v25;
	[tilespmem:v27+s13+$0x0] =	vst.idx.msk $0xffff, v15;
	v14 =	vld [tilespmem:s21+$0xFFFFFFB0];
	v15 =	vadd.s32 v3, v6;
	v6 =	vmovc v21;
	s21 =	smov.u32 s23;
	s23 =	sadd.s32 $0x100, s23  }
0x48: {  	v22 =	vmov s26;
	v17 =	vadd.s32 v3, v7;
	v7 =	vmovc v26;
	s25 =	sadd.s32 $0x4, s25;
	v19 =	vld [tilespmem:s23+$0x40];
	v21 =	vmul.f32 $8.000000000e+00, v28;
	[tilespmem:v29+s13+$0x0] =	vst.idx.msk $0xffff, v23  }
0x49: {  	s25 =	sadd.s32 $0x1, s24;
	v22 =	vand.u32 $0x7F, v22;
	v28 =	vld [tilespmem:s23+$0xFFFFFF80]  }
0x4a: {  	s31 =	sadd.s32 $0x2, s24;
	v24 =	vld [tilespmem:s23+$0xFFFFFFC0];
	v23 =	vmov s25;
	v25 =	vadd.s32 v0, v22  }
0x4b: {  	v27 =	vld [tilespmem:s23+$0x0];
	v51 =	vadd.s32 v0, v9;
	v26 =	vmov s31;
	v23 =	vand.u32 $0x7D, v23  }
0x4c: {  	v26 =	vand.u32 $0x7E, v26;
	v29 =	vadd.s32 v0, v23  }
0x4d: {  	[tilespmem:v18+s13+$0x0] =	vst.idx.msk $0xffff, v20;
	v30 =	vadd.s32 v0, v26;
	v19 =	vmul.f32 $8.000000000e+00, v19  }
0x4e: {  	[tilespmem:v16+s13+$0x0] =	vst.idx.msk $0xffff, v21;
	v54 =	vmul.f32 $8.000000000e+00, v28  }
0x4f: {  	v52 =	vmul.f32 $8.000000000e+00, v24;
	[tilespmem:v25+s13+$0x0] =	vst.idx.msk $0xffff, v19  }
0x50: {  	v53 =	vmul.f32 $8.000000000e+00, v27;
	v55 =	vld [tilespmem:s23+$0x50];
	[tilespmem:v51+s13+$0x0] =	vst.idx.msk $0xffff, v54  }
0x51: {  	v13 =	vmul.f32 $8.000000000e+00, v13;
	v8 =	vadd.s32 v3, v8;
	[tilespmem:v29+s13+$0x0] =	vst.idx.msk $0xffff, v52;
	v59 =	vld [tilespmem:s23+$0xFFFFFF90]  }
0x52: {  	v12 =	vmul.f32 $8.000000000e+00, v12;
	v57 =	vadd.s32 v1, v22;
	[tilespmem:v30+s13+$0x0] =	vst.idx.msk $0xffff, v53;
	v56 =	vld [tilespmem:s23+$0xFFFFFFD0]  }
0x53: {  	[tilespmem:v10+s13+$0x0] =	vst.idx.msk $0xffff, v13;
	v58 =	vmul.f32 $8.000000000e+00, v11;
	v28 =	vadd.s32 v1, v9;
	v19 =	vld [tilespmem:s23+$0x10]  }
0x54: {  	v61 =	vld [tilespmem:s21+$0x60];
	v60 =	vadd.s32 v1, v23;
	v14 =	vmul.f32 $8.000000000e+00, v14;
	[tilespmem:v15+s13+$0x0] =	vst.idx.msk $0xffff, v12  }
0x55: {  	v32 =	vld [tilespmem:s21+$0xFFFFFFA0];
	v62 =	vadd.s32 v1, v26;
	[tilespmem:v17+s13+$0x0] =	vst.idx.msk $0xffff, v58;
	v16 =	vmul.f32 $8.000000000e+00, v55  }
0x56: {  	[tilespmem:v8+s13+$0x0] =	vst.idx.msk $0xffff, v14;
	v29 =	vadd.s32 v2, v5;
	v30 =	vld [tilespmem:s21+$0x20];
	v11 =	vmul.f32 $8.000000000e+00, v59  }
0x57: {  	v38 =	vadd.s32 v2, v4;
	v63 =	vld [tilespmem:s21+$0xFFFFFFE0];
	v31 =	vmul.f32 $8.000000000e+00, v56;
	[tilespmem:v57+s13+$0x0] =	vst.idx.msk $0xffff, v16  }
0x58: {  	v35 =	vadd.s32 v2, v7;
	v34 =	vmul.f32 $8.000000000e+00, v19;
	v36 =	vld [tilespmem:s23+$0x60];
	[tilespmem:v28+s13+$0x0] =	vst.idx.msk $0xffff, v11  }
0x59: {  	v33 =	vadd.s32 v2, v6;
	v37 =	vmul.f32 $8.000000000e+00, v61;
	[tilespmem:v60+s13+$0x0] =	vst.idx.msk $0xffff, v31;
	v43 =	vld [tilespmem:s23+$0xFFFFFFA0]  }
0x5a: {  	v40 =	vadd.s32 v2, v22;
	v14 =	vmul.f32 $8.000000000e+00, v32;
	[tilespmem:v62+s13+$0x0] =	vst.idx.msk $0xffff, v34;
	v39 =	vld [tilespmem:s23+$0xFFFFFFE0]  }
0x5b: {  	v48 =	vadd.s32 v2, v9;
	[tilespmem:v29+s13+$0x0] =	vst.idx.msk $0xffff, v37;
	v42 =	vmul.f32 $8.000000000e+00, v30;
	v41 =	vld [tilespmem:s23+$0x20]  }
0x5c: {  	v44 =	vadd.s32 v2, v23;
	v15 =	vmul.f32 $8.000000000e+00, v63;
	[tilespmem:v38+s13+$0x0] =	vst.idx.msk $0xffff, v14;
	v45 =	vld [tilespmem:s21+$0x70]  }
0x5d: {  	v46 =	vadd.s32 v2, v26;
	v14 =	vld [tilespmem:s21+$0xFFFFFFB0];
	[tilespmem:v35+s13+$0x0] =	vst.idx.msk $0xffff, v42;
	v47 =	vmul.f32 $8.000000000e+00, v36  }
0x5e: {  	v5 =	vadd.s32 v3, v5;
	[tilespmem:v33+s13+$0x0] =	vst.idx.msk $0xffff, v15;
	v49 =	vld [tilespmem:s21+$0x30];
	v53 =	vmul.f32 $8.000000000e+00, v43  }
0x5f: {  	v4 =	vadd.s32 v3, v4;
	v21 =	vld [tilespmem:s21+$0xFFFFFFF0];
	v12 =	vmul.f32 $8.000000000e+00, v39;
	[tilespmem:v40+s13+$0x0] =	vst.idx.msk $0xffff, v47  }
0x60: {  	v52 =	vadd.s32 v3, v7;
	v51 =	vmul.f32 $8.000000000e+00, v41;
	v10 =	vld [tilespmem:s23+$0x70];
	[tilespmem:v48+s13+$0x0] =	vst.idx.msk $0xffff, v53  }
0x61: {  	v50 =	vadd.s32 v3, v6;
	v54 =	vmul.f32 $8.000000000e+00, v45;
	[tilespmem:v44+s13+$0x0] =	vst.idx.msk $0xffff, v12;
	v59 =	vld [tilespmem:s23+$0xFFFFFFB0]  }
0x62: {  	v57 =	vadd.s32 v3, v22;
	v14 =	vmul.f32 $8.000000000e+00, v14;
	[tilespmem:v46+s13+$0x0] =	vst.idx.msk $0xffff, v51;
	v55 =	vld [tilespmem:s23+$0xFFFFFFF0]  }
0x63: {  	v62 =	vadd.s32 v3, v9;
	[tilespmem:v5+s13+$0x0] =	vst.idx.msk $0xffff, v54;
	v5 =	vmul.f32 $8.000000000e+00, v49;
	v58 =	vld [tilespmem:s23+$0x30]  }
0x64: {  	v56 =	vmul.f32 $8.000000000e+00, v21;
	v60 =	vadd.s32 v3, v23;
	[tilespmem:v4+s13+$0x0] =	vst.idx.msk $0xffff, v14  }
0x65: {  	v61 =	vadd.s32 v3, v26;
	[tilespmem:v52+s13+$0x0] =	vst.idx.msk $0xffff, v5;
	v5 =	vmul.f32 $8.000000000e+00, v10  }
0x66: {  	s25 =	sadd.s32 s5, s22;
	[tilespmem:v50+s13+$0x0] =	vst.idx.msk $0xffff, v56;
	v63 =	vmul.f32 $8.000000000e+00, v59  }
0x67: {  	s22 =	sshll.u32 s25, $0x7;
	v4 =	vmul.f32 $8.000000000e+00, v55;
	[tilespmem:v57+s13+$0x0] =	vst.idx.msk $0xffff, v5  }
0x68: {  	s22 =	sand.u32 $0xF00, s22;
	s21 =	sshll.u32 s25, $0xA;
	v5 =	vmul.f32 $8.000000000e+00, v58;
	[tilespmem:v62+s13+$0x0] =	vst.idx.msk $0xffff, v63  }
0x69: {  	s22 =	sadd.s32 s2, s22;
	s21 =	sand.u32 $0xFFF8000, s21;
	[tilespmem:v60+s13+$0x0] =	vst.idx.msk $0xffff, v4  }
0x6a: {  	s26 =	simm.s32 $0xA400;
	s22 =	sadd.s32 s21, s22;
	[tilespmem:v61+s13+$0x0] =	vst.idx.msk $0xffff, v5  }
0x6b: {  	[hbm4b:s22+s3] =	stream.linear.scatter [tilespmem:s26], [sflag:$0x3], $0x80, $0x38;
	[tilespmem:$0xE800] =	vst v63  }
0x6c: {  	s28 =	simm.s32 $0xA488;
	s29 =	sadd.s32 $0x10, s22  }
0x6d: {  	[hbm4b:s29+s3] =	stream.linear.scatter [tilespmem:s28], [sflag:$0x3], $0x80, $0x38;
	[tilespmem:$0xE800] =	vst v63  }
0x6e: {  	s30 =	simm.s32 $0xA510;
	s25 =	simm.s32 $0xA620;
	s31 =	sadd.s32 $0x20, s22  }
0x6f: {  	[hbm4b:s31+s3] =	stream.linear.scatter [tilespmem:s30], [sflag:$0x3], $0x80, $0x38;
	[tilespmem:$0xE800] =	vst v63  }
0x70: {  	s21 =	simm.s32 $0x440;
	s24 =	sadd.s32 $0x30, s22;
	s23 =	simm.s32 $0xA598  }
0x71: {  	[hbm4b:s24+s3] =	stream.linear.scatter [tilespmem:s23], [sflag:$0x3], $0x80, $0x38;
	[tilespmem:$0xE800] =	vst v63  }
0x72: {  	s26 =	sadd.s32 $0x40, s22;
	s28 =	simm.s32 $0xA6A8;
	s29 =	sadd.s32 $0x50, s22  }
0x73: {  	[hbm4b:s26+s3] =	stream.linear.scatter [tilespmem:s25], [sflag:$0x3], $0x80, $0x38;
	[tilespmem:$0xE800] =	vst v63  }
0x74: {  	s30 =	simm.s32 $0xA730;
	s31 =	sadd.s32 $0x60, s22;
	s23 =	simm.s32 $0x2200  }
0x75: {  	[hbm4b:s29+s3] =	stream.linear.scatter [tilespmem:s28], [sflag:$0x3], $0x80, $0x38;
	[tilespmem:$0xE800] =	vst v63  }
0x76: {  	s24 =	simm.s32 $0xA7B8;
	s25 =	sadd.s32 $0x70, s22;
	s22 =	sadd.s32 $0x1000, s22  }
0x77: {  	[hbm4b:s31+s3] =	stream.linear.scatter [tilespmem:s30], [sflag:$0x3], $0x80, $0x38;
	[tilespmem:$0xE800] =	vst v63  }
.LBB2_5:
0x78: {  	[hbm4b:s25+s3] =	stream.linear.scatter [tilespmem:s24], [sflag:$0x3], $0x80, $0x38;
	[tilespmem:$0xE800] =	vst v63  }
0x79: {  	s24 =	smov.u32 s21;
	s21 =	smov.u32 s23  }
0x7a: {  	s26 =	sadd.s32 $0x1100, s23;
	s21 =	sshra.s32 s21, $0x2;
	s25 =	sadd.s32 $0xA400, s24  }
0x7b: {  	[hbm4b:s22+s3] =	stream.linear.scatter [tilespmem:s25], [sflag:$0x3], $0x80, $0x38;
	[tilespmem:$0xE800] =	vst v63  }
0x7c: {  	p0 =	sne.s32 s23, $0x7700;
	s23 =	sadd.s32 $0xA488, s24;
	s25 =	sadd.s32 $0x10, s22  }
0x7d: {  	[hbm4b:s25+s3] =	stream.linear.scatter [tilespmem:s23], [sflag:$0x3], $0x80, $0x38;
	[tilespmem:$0xE800] =	vst v63  }
0x7e: {  	s23 =	sadd.s32 $0xA510, s24;
	s25 =	sadd.s32 $0x20, s22  }
0x7f: {  	[hbm4b:s25+s3] =	stream.linear.scatter [tilespmem:s23], [sflag:$0x3], $0x80, $0x38;
	[tilespmem:$0xE800] =	vst v63  }
0x80: {  	s23 =	sadd.s32 $0xA598, s24;
	s25 =	sadd.s32 $0x30, s22  }
0x81: {  	[hbm4b:s25+s3] =	stream.linear.scatter [tilespmem:s23], [sflag:$0x3], $0x80, $0x38;
	[tilespmem:$0xE800] =	vst v63  }
0x82: {  	s23 =	sadd.s32 $0xA620, s24;
	s25 =	sadd.s32 $0x40, s22  }
0x83: {  	[hbm4b:s25+s3] =	stream.linear.scatter [tilespmem:s23], [sflag:$0x3], $0x80, $0x38;
	[tilespmem:$0xE800] =	vst v63  }
.Ltmp1:
0x84: {  	s23 =	sadd.s32 $0xA6A8, s24;
	s25 =	sadd.s32 $0x50, s22;
	(pc) =	sbr.rel @p0 .LBB2_5-.Ltmp1, $4  }
0x85: {  	[hbm4b:s25+s3] =	stream.linear.scatter [tilespmem:s23], [sflag:$0x3], $0x80, $0x38;
	[tilespmem:$0xE800] =	vst v63  }
0x86: {  	s23 =	sadd.s32 $0xA730, s24;
	s25 =	sadd.s32 $0x60, s22;
	s24 =	sadd.s32 $0xA7B8, s24  }
0x87: {  	[hbm4b:s25+s3] =	stream.linear.scatter [tilespmem:s23], [sflag:$0x3], $0x80, $0x38;
	[tilespmem:$0xE800] =	vst v63  }
0x88: {  	s25 =	sadd.s32 $0x70, s22;
	s22 =	sadd.s32 $0x1000, s22;
	s23 =	smov.u32 s26  }
0x89: {  	[hbm4b:s25+s3] =	stream.linear.scatter [tilespmem:s24], [sflag:$0x3], $0x80, $0x38;
	[tilespmem:$0xE800] =	vst v63  }
0x8a: {  	s23 =	sadd.s32 $0xA400, s21  }
0x8b: {  	[hbm4b:s22+s3] =	stream.linear.scatter [tilespmem:s23], [sflag:$0x3], $0x80, $0x38;
	[tilespmem:$0xE800] =	vst v63  }
0x8c: {  	s30 =	sadd.s32 $0xA488, s21;
	s31 =	sadd.s32 $0x10, s22  }
0x8d: {  	[hbm4b:s31+s3] =	stream.linear.scatter [tilespmem:s30], [sflag:$0x3], $0x80, $0x38;
	[tilespmem:$0xE800] =	vst v63  }
0x8e: {  	s25 =	sadd.s32 $0xA510, s21;
	s26 =	sadd.s32 $0x20, s22  }
0x8f: {  	[hbm4b:s26+s3] =	stream.linear.scatter [tilespmem:s25], [sflag:$0x3], $0x80, $0x38;
	[tilespmem:$0xE800] =	vst v63  }
0x90: {  	s28 =	sadd.s32 $0xA598, s21;
	s29 =	sadd.s32 $0x30, s22  }
0x91: {  	[hbm4b:s29+s3] =	stream.linear.scatter [tilespmem:s28], [sflag:$0x3], $0x80, $0x38;
	[tilespmem:$0xE800] =	vst v63  }
0x92: {  	s30 =	sadd.s32 $0xA620, s21;
	s31 =	sadd.s32 $0x40, s22  }
0x93: {  	[hbm4b:s31+s3] =	stream.linear.scatter [tilespmem:s30], [sflag:$0x3], $0x80, $0x38;
	[tilespmem:$0xE800] =	vst v63  }
0x94: {  	s24 =	sadd.s32 $0xA6A8, s21;
	s25 =	sadd.s32 $0x50, s22  }
0x95: {  	[hbm4b:s25+s3] =	stream.linear.scatter [tilespmem:s24], [sflag:$0x3], $0x80, $0x38;
	[tilespmem:$0xE800] =	vst v63  }
0x96: {  	s26 =	sadd.s32 $0xA730, s21;
	s28 =	sadd.s32 $0x60, s22  }
0x97: {  	[hbm4b:s28+s3] =	stream.linear.scatter [tilespmem:s26], [sflag:$0x3], $0x80, $0x38;
	[tilespmem:$0xE800] =	vst v63  }
0x98: {  	p0 =	seq.s32 s19, $0x63;
	s29 =	sadd.s32 $0xA7B8, s21;
	s30 =	sadd.s32 $0x70, s22  }
0x99: {  	[hbm4b:s30+s3] =	stream.linear.scatter [tilespmem:s29], [sflag:$0x3], $0x80, $0x38;
	[tilespmem:$0xE800] =	vst v63  }
0x9a: {  	p1 =	seq.s32 @!p0 s19, $0x0;
	s21 =	sshll.u32 @!p0 s19, $0x8;
	_ =	swait.ge [sflag:s14], $0x2000  }
0x9b: {  	s23 =	simm.s32 @!p0 $0x6400;
	s21 =	sand.u32 @!p0 $0x3FFFFF00, s21;
	[sflag:s14] =	ssyncset.done $0x0  }
0x9c: {  	s21 =	sadd.s32 @!p0 $0x100, s21;
	s22 =	simm.s32 @!p0 $0x80;
	[sflag:s14] =	ssyncadd.s32 $0xFFFFE000  }
0x9d: {  	[tilespmem:s23], [sflag:$0x1] =	stream.indirect.gather @!p0 [hbm4b:s4+s22], $0x40, s21, s22, $0xb8;
	[tilespmem:$0xE800] =	vst v63  }
0x9e: {  	p0 =	por p0, !p1  }
0x9f: {  	_ =	swait.ge @p0 [sflag:s17], $0x2000  }
0xa0: {  	[sflag:s17] =	ssyncset.done @p0 $0x0  }
0xa1: {  	s31 =	simm.s32 $0x3;
	s24 =	simm.s32 $0x8480;
	[sflag:s17] =	ssyncadd.s32 @p0 $0xFFFFE000  }
0xa2: {  	v4 =	vmov s31;
	v5 =	vld [tilespmem:s24+$0x40]  }
0xa3: {  	v9 =	vand.u32 $0x7F, v4  }
0xa4: {  	v4 =	vadd.s32 v0, v9;
	s22 =	simm.s32 $0x0  }
0xa5: {  	s25 =	simm.s32 $0x2;
	s23 =	simm.s32 $0x1;
	v6 =	vmov s22;
	v7 =	vld [tilespmem:s24+$0xFFFFFF80]  }
0xa6: {  	v11 =	vmov s25;
	v8 =	vand.u32 $0x7C, v6;
	v6 =	vmov s23;
	v10 =	vld [tilespmem:s24+$0xFFFFFFC0]  }
0xa7: {  	v12 =	vadd.s32 v0, v8;
	v15 =	vand.u32 $0x7D, v6;
	v6 =	vld [tilespmem:s24+$0x0];
	v5 =	vmul.f32 $8.000000000e+00, v5  }
0xa8: {  	v17 =	vand.u32 $0x7E, v11;
	v13 =	vadd.s32 v0, v15  }
0xa9: {  	v11 =	vadd.s32 v0, v17;
	[tilespmem:v4+s15+$0x0] =	vst.idx.msk $0xffff, v5  }
0xaa: {  	v4 =	vmul.f32 $8.000000000e+00, v7;
	v5 =	vld [tilespmem:s24+$0x50]  }
0xab: {  	v7 =	vmul.f32 $8.000000000e+00, v10  }
0xac: {  	[tilespmem:v12+s15+$0x0] =	vst.idx.msk $0xffff, v4;
	v4 =	vmul.f32 $8.000000000e+00, v6;
	v6 =	vadd.s32 v1, v9  }
0xad: {  	[tilespmem:v13+s15+$0x0] =	vst.idx.msk $0xffff, v7;
	v10 =	vld [tilespmem:s24+$0xFFFFFF90]  }
0xae: {  	v7 =	vld [tilespmem:s24+$0xFFFFFFD0];
	[tilespmem:v11+s15+$0x0] =	vst.idx.msk $0xffff, v4  }
0xaf: {  	v11 =	vld [tilespmem:s24+$0x10];
	v4 =	vmul.f32 $8.000000000e+00, v5  }
0xb0: {  	s26 =	simm.s32 $0x4;
	s28 =	simm.s32 $0x7;
	s21 =	simm.s32 $0x8580;
	v12 =	vadd.s32 v1, v15  }
0xb1: {  	v14 =	vld [tilespmem:s21+$0x40];
	v13 =	vadd.s32 v1, v17;
	v5 =	vmov s26;
	[tilespmem:v6+s15+$0x0] =	vst.idx.msk $0xffff, v4;
	v6 =	vmov s28  }
0xb2: {  	v16 =	vadd.s32 v1, v8;
	v4 =	vand.u32 $0x7C, v5;
	v5 =	vand.u32 $0x7F, v6;
	v18 =	vld [tilespmem:s24+$0x60]  }
0xb3: {  	v22 =	vadd.s32 v2, v9;
	s29 =	simm.s32 $0x5;
	v19 =	vld [tilespmem:s21+$0xFFFFFF80];
	v6 =	vmul.f32 $8.000000000e+00, v7;
	v20 =	vadd.s32 v0, v5  }
0xb4: {  	s30 =	simm.s32 $0x6;
	v21 =	vld [tilespmem:s21+$0xFFFFFFC0];
	v10 =	vmul.f32 $8.000000000e+00, v10;
	v7 =	vmul.f32 $8.000000000e+00, v11;
	v11 =	vmov s29  }
0xb5: {  	v23 =	vadd.s32 v0, v4;
	[tilespmem:v12+s15+$0x0] =	vst.idx.msk $0xffff, v6;
	v12 =	vmov s30;
	v6 =	vand.u32 $0x7D, v11;
	v11 =	vld [tilespmem:s21+$0x0]  }
0xb6: {  	[tilespmem:v13+s15+$0x0] =	vst.idx.msk $0xffff, v7;
	v13 =	vadd.s32 v0, v6;
	v7 =	vand.u32 $0x7E, v12;
	v12 =	vmul.f32 $8.000000000e+00, v14;
	v14 =	vld [tilespmem:s24+$0xFFFFFFE0]  }
0xb7: {  	[tilespmem:v16+s15+$0x0] =	vst.idx.msk $0xffff, v10;
	v10 =	vadd.s32 v0, v7;
	v16 =	vld [tilespmem:s24+$0x20];
	v18 =	vmul.f32 $8.000000000e+00, v18  }
0xb8: {  	v19 =	vmul.f32 $8.000000000e+00, v19;
	[tilespmem:v20+s15+$0x0] =	vst.idx.msk $0xffff, v12;
	v12 =	vld [tilespmem:s24+$0xFFFFFFA0];
	v20 =	vadd.s32 v2, v15  }
0xb9: {  	v25 =	vadd.s32 v2, v17;
	v21 =	vmul.f32 $8.000000000e+00, v21;
	v24 =	vld [tilespmem:s21+$0x50];
	[tilespmem:v22+s15+$0x0] =	vst.idx.msk $0xffff, v18  }
0xba: {  	[tilespmem:v23+s15+$0x0] =	vst.idx.msk $0xffff, v19;
	v19 =	vadd.s32 v2, v8;
	v11 =	vmul.f32 $8.000000000e+00, v11;
	v22 =	vld [tilespmem:s24+$0x70]  }
0xbb: {  	v23 =	vld [tilespmem:s21+$0xFFFFFF90];
	[tilespmem:v13+s15+$0x0] =	vst.idx.msk $0xffff, v21;
	v21 =	vadd.s32 v1, v5;
	v14 =	vmul.f32 $8.000000000e+00, v14  }
0xbc: {  	v27 =	vadd.s32 v3, v9;
	v26 =	vld [tilespmem:s21+$0xFFFFFFD0];
	[tilespmem:v10+s15+$0x0] =	vst.idx.msk $0xffff, v11;
	v10 =	vmul.f32 $8.000000000e+00, v16  }
0xbd: {  	v18 =	vadd.s32 v1, v4;
	v13 =	vld [tilespmem:s21+$0x10];
	v9 =	vmul.f32 $8.000000000e+00, v12;
	[tilespmem:v20+s15+$0x0] =	vst.idx.msk $0xffff, v14  }
0xbe: {  	s23 =	simm.s32 $0x8;
	v16 =	vadd.s32 v1, v6;
	[tilespmem:v25+s15+$0x0] =	vst.idx.msk $0xffff, v10;
	v14 =	vmul.f32 $8.000000000e+00, v24;
	v12 =	vld [tilespmem:s24+$0xFFFFFFF0]  }
0xbf: {  	v20 =	vmov s23;
	v10 =	vadd.s32 v1, v7;
	v11 =	vld [tilespmem:s24+$0x30];
	[tilespmem:v19+s15+$0x0] =	vst.idx.msk $0xffff, v9;
	v63 =	vmul.f32 $8.000000000e+00, v22  }
0xc0: {  	s31 =	simm.s32 $0xB;
	s22 =	simm.s32 $0x8680;
	v15 =	vadd.s32 v3, v15;
	v9 =	vand.u32 $0x7C, v20;
	v20 =	vmul.f32 $8.000000000e+00, v23;
	[tilespmem:v21+s15+$0x0] =	vst.idx.msk $0xffff, v14;
	v14 =	vld [tilespmem:s24+$0xFFFFFFB0]  }
0xc1: {  	v17 =	vadd.s32 v3, v17;
	v22 =	vmov s31;
	v19 =	vld [tilespmem:s22+$0x40];
	s24 =	simm.s32 $0xC;
	v21 =	vmul.f32 $8.000000000e+00, v26;
	[tilespmem:v27+s15+$0x0] =	vst.idx.msk $0xffff, v63  }
.LBB2_7:
0xc2: {  	p0 =	slt.u32 s24, $0x7C;
	s25 =	sadd.s32 $0x1, s23;
	v22 =	vand.u32 $0x7F, v22;
	[tilespmem:v18+s15+$0x0] =	vst.idx.msk $0xffff, v20;
	v13 =	vmul.f32 $8.000000000e+00, v13;
	v18 =	vld [tilespmem:s21+$0x60];
	v20 =	vadd.s32 v3, v8;
	v8 =	vmovc v4  }
0xc3: {  	v4 =	vmovc v9;
	v23 =	vld [tilespmem:s22+$0xFFFFFF80];
	v24 =	vmov s25;
	s25 =	sadd.s32 $0x2, s23;
	v25 =	vadd.s32 v0, v22;
	[tilespmem:v16+s15+$0x0] =	vst.idx.msk $0xffff, v21;
	v12 =	vmul.f32 $8.000000000e+00, v12;
	s23 =	smov.u32 s24  }
0xc4: {  	v9 =	vld [tilespmem:s22+$0xFFFFFFC0];
	v16 =	vmov s25;
	[tilespmem:v10+s15+$0x0] =	vst.idx.msk $0xffff, v13;
	v10 =	vadd.s32 v2, v5;
	v11 =	vmul.f32 $8.000000000e+00, v11  }
0xc5: {  	v13 =	vadd.s32 v0, v4;
	v21 =	vand.u32 $0x7D, v24;
	v24 =	vld [tilespmem:s22+$0x0];
	v14 =	vmul.f32 $8.000000000e+00, v14;
	[tilespmem:v15+s15+$0x0] =	vst.idx.msk $0xffff, v12  }
0xc6: {  	v12 =	vadd.s32 v0, v21;
	v26 =	vand.u32 $0x7E, v16;
	v15 =	vmul.f32 $8.000000000e+00, v19;
	v16 =	vld [tilespmem:s21+$0xFFFFFFE0];
	[tilespmem:v17+s15+$0x0] =	vst.idx.msk $0xffff, v11  }
0xc7: {  	v11 =	vadd.s32 v0, v26;
	v17 =	vld [tilespmem:s21+$0x20];
	v18 =	vmul.f32 $8.000000000e+00, v18;
	[tilespmem:v20+s15+$0x0] =	vst.idx.msk $0xffff, v14  }
0xc8: {  	v19 =	vadd.s32 v2, v6;
	v14 =	vmul.f32 $8.000000000e+00, v23;
	[tilespmem:v25+s15+$0x0] =	vst.idx.msk $0xffff, v15;
	v15 =	vld [tilespmem:s21+$0xFFFFFFA0]  }
0xc9: {  	v23 =	vadd.s32 v2, v7;
	v9 =	vmul.f32 $8.000000000e+00, v9;
	v20 =	vld [tilespmem:s22+$0x50];
	[tilespmem:v10+s15+$0x0] =	vst.idx.msk $0xffff, v18  }
0xca: {  	[tilespmem:v13+s15+$0x0] =	vst.idx.msk $0xffff, v14;
	v10 =	vmul.f32 $8.000000000e+00, v24;
	v14 =	vadd.s32 v2, v8;
	v24 =	vld [tilespmem:s21+$0x70]  }
0xcb: {  	v27 =	vadd.s32 v1, v22;
	v25 =	vld [tilespmem:s22+$0xFFFFFF90];
	[tilespmem:v12+s15+$0x0] =	vst.idx.msk $0xffff, v9;
	v9 =	vmul.f32 $8.000000000e+00, v16  }
0xcc: {  	v29 =	vadd.s32 v3, v5;
	v5 =	vmov v22;
	v28 =	vld [tilespmem:s22+$0xFFFFFFD0];
	[tilespmem:v11+s15+$0x0] =	vst.idx.msk $0xffff, v10;
	v10 =	vmul.f32 $8.000000000e+00, v17  }
.Ltmp2:
0xcd: {  	v18 =	vadd.s32 v1, v4;
	v13 =	vld [tilespmem:s22+$0x10];
	v11 =	vmul.f32 $8.000000000e+00, v15;
	[tilespmem:v19+s15+$0x0] =	vst.idx.msk $0xffff, v9;
	(pc) =	sbr.rel @p0 .LBB2_7-.Ltmp2, $4  }
0xce: {  	v16 =	vadd.s32 v1, v21;
	v15 =	vmul.f32 $8.000000000e+00, v20;
	v12 =	vld [tilespmem:s21+$0xFFFFFFF0];
	[tilespmem:v23+s15+$0x0] =	vst.idx.msk $0xffff, v10  }
0xcf: {  	v9 =	vmov s24;
	v10 =	vadd.s32 v1, v26;
	[tilespmem:v14+s15+$0x0] =	vst.idx.msk $0xffff, v11;
	v11 =	vld [tilespmem:s21+$0x30];
	v23 =	vmul.f32 $8.000000000e+00, v24  }
0xd0: {  	s25 =	sadd.s32 $0x3, s24;
	v9 =	vand.u32 $0x7C, v9;
	v20 =	vmul.f32 $8.000000000e+00, v25;
	[tilespmem:v27+s15+$0x0] =	vst.idx.msk $0xffff, v15;
	v14 =	vld [tilespmem:s21+$0xFFFFFFB0];
	v15 =	vadd.s32 v3, v6;
	v6 =	vmovc v21;
	s21 =	smov.u32 s22;
	s22 =	sadd.s32 $0x100, s22  }
0xd1: {  	v22 =	vmov s25;
	v17 =	vadd.s32 v3, v7;
	v7 =	vmovc v26;
	s24 =	sadd.s32 $0x4, s24;
	v19 =	vld [tilespmem:s22+$0x40];
	v21 =	vmul.f32 $8.000000000e+00, v28;
	[tilespmem:v29+s15+$0x0] =	vst.idx.msk $0xffff, v23  }
0xd2: {  	s24 =	sadd.s32 $0x1, s23;
	v22 =	vand.u32 $0x7F, v22;
	v28 =	vld [tilespmem:s22+$0xFFFFFF80]  }
0xd3: {  	v24 =	vld [tilespmem:s22+$0xFFFFFFC0];
	v23 =	vmov s24;
	s24 =	sadd.s32 $0x2, s23;
	v25 =	vadd.s32 v0, v22  }
0xd4: {  	v27 =	vld [tilespmem:s22+$0x0];
	v51 =	vadd.s32 v0, v9;
	v26 =	vmov s24;
	v23 =	vand.u32 $0x7D, v23  }
0xd5: {  	v29 =	vadd.s32 v0, v23;
	v26 =	vand.u32 $0x7E, v26  }
0xd6: {  	[tilespmem:v18+s15+$0x0] =	vst.idx.msk $0xffff, v20;
	v30 =	vadd.s32 v0, v26;
	v19 =	vmul.f32 $8.000000000e+00, v19  }
0xd7: {  	[tilespmem:v16+s15+$0x0] =	vst.idx.msk $0xffff, v21;
	v54 =	vmul.f32 $8.000000000e+00, v28  }
0xd8: {  	v52 =	vmul.f32 $8.000000000e+00, v24;
	[tilespmem:v25+s15+$0x0] =	vst.idx.msk $0xffff, v19  }
0xd9: {  	v53 =	vmul.f32 $8.000000000e+00, v27;
	v55 =	vld [tilespmem:s22+$0x50];
	[tilespmem:v51+s15+$0x0] =	vst.idx.msk $0xffff, v54  }
0xda: {  	v13 =	vmul.f32 $8.000000000e+00, v13;
	v8 =	vadd.s32 v3, v8;
	[tilespmem:v29+s15+$0x0] =	vst.idx.msk $0xffff, v52;
	v59 =	vld [tilespmem:s22+$0xFFFFFF90]  }
0xdb: {  	v12 =	vmul.f32 $8.000000000e+00, v12;
	v57 =	vadd.s32 v1, v22;
	v56 =	vld [tilespmem:s22+$0xFFFFFFD0];
	[tilespmem:v30+s15+$0x0] =	vst.idx.msk $0xffff, v53  }
0xdc: {  	[tilespmem:v10+s15+$0x0] =	vst.idx.msk $0xffff, v13;
	v58 =	vmul.f32 $8.000000000e+00, v11;
	v28 =	vadd.s32 v1, v9;
	v19 =	vld [tilespmem:s22+$0x10]  }
0xdd: {  	v61 =	vld [tilespmem:s21+$0x60];
	v60 =	vadd.s32 v1, v23;
	v14 =	vmul.f32 $8.000000000e+00, v14;
	[tilespmem:v15+s15+$0x0] =	vst.idx.msk $0xffff, v12  }
0xde: {  	v32 =	vld [tilespmem:s21+$0xFFFFFFA0];
	v62 =	vadd.s32 v1, v26;
	[tilespmem:v17+s15+$0x0] =	vst.idx.msk $0xffff, v58;
	v16 =	vmul.f32 $8.000000000e+00, v55  }
0xdf: {  	[tilespmem:v8+s15+$0x0] =	vst.idx.msk $0xffff, v14;
	v29 =	vadd.s32 v2, v5;
	v30 =	vld [tilespmem:s21+$0x20];
	v11 =	vmul.f32 $8.000000000e+00, v59  }
0xe0: {  	v38 =	vadd.s32 v2, v4;
	v63 =	vld [tilespmem:s21+$0xFFFFFFE0];
	v31 =	vmul.f32 $8.000000000e+00, v56;
	[tilespmem:v57+s15+$0x0] =	vst.idx.msk $0xffff, v16  }
0xe1: {  	v35 =	vadd.s32 v2, v7;
	v34 =	vmul.f32 $8.000000000e+00, v19;
	v36 =	vld [tilespmem:s22+$0x60];
	[tilespmem:v28+s15+$0x0] =	vst.idx.msk $0xffff, v11  }
0xe2: {  	v33 =	vadd.s32 v2, v6;
	v37 =	vmul.f32 $8.000000000e+00, v61;
	[tilespmem:v60+s15+$0x0] =	vst.idx.msk $0xffff, v31;
	v43 =	vld [tilespmem:s22+$0xFFFFFFA0]  }
0xe3: {  	v40 =	vadd.s32 v2, v22;
	v14 =	vmul.f32 $8.000000000e+00, v32;
	[tilespmem:v62+s15+$0x0] =	vst.idx.msk $0xffff, v34;
	v39 =	vld [tilespmem:s22+$0xFFFFFFE0]  }
0xe4: {  	v48 =	vadd.s32 v2, v9;
	[tilespmem:v29+s15+$0x0] =	vst.idx.msk $0xffff, v37;
	v42 =	vmul.f32 $8.000000000e+00, v30;
	v41 =	vld [tilespmem:s22+$0x20]  }
0xe5: {  	v44 =	vadd.s32 v2, v23;
	v15 =	vmul.f32 $8.000000000e+00, v63;
	[tilespmem:v38+s15+$0x0] =	vst.idx.msk $0xffff, v14;
	v45 =	vld [tilespmem:s21+$0x70]  }
0xe6: {  	v46 =	vadd.s32 v2, v26;
	v14 =	vld [tilespmem:s21+$0xFFFFFFB0];
	[tilespmem:v35+s15+$0x0] =	vst.idx.msk $0xffff, v42;
	v47 =	vmul.f32 $8.000000000e+00, v36  }
0xe7: {  	v5 =	vadd.s32 v3, v5;
	[tilespmem:v33+s15+$0x0] =	vst.idx.msk $0xffff, v15;
	v49 =	vld [tilespmem:s21+$0x30];
	v53 =	vmul.f32 $8.000000000e+00, v43  }
0xe8: {  	v4 =	vadd.s32 v3, v4;
	v21 =	vld [tilespmem:s21+$0xFFFFFFF0];
	v12 =	vmul.f32 $8.000000000e+00, v39;
	[tilespmem:v40+s15+$0x0] =	vst.idx.msk $0xffff, v47  }
0xe9: {  	v52 =	vadd.s32 v3, v7;
	v51 =	vmul.f32 $8.000000000e+00, v41;
	v10 =	vld [tilespmem:s22+$0x70];
	[tilespmem:v48+s15+$0x0] =	vst.idx.msk $0xffff, v53  }
0xea: {  	v50 =	vadd.s32 v3, v6;
	v54 =	vmul.f32 $8.000000000e+00, v45;
	[tilespmem:v44+s15+$0x0] =	vst.idx.msk $0xffff, v12;
	v59 =	vld [tilespmem:s22+$0xFFFFFFB0]  }
0xeb: {  	v57 =	vadd.s32 v3, v22;
	v14 =	vmul.f32 $8.000000000e+00, v14;
	v55 =	vld [tilespmem:s22+$0xFFFFFFF0];
	[tilespmem:v46+s15+$0x0] =	vst.idx.msk $0xffff, v51  }
0xec: {  	v62 =	vadd.s32 v3, v9;
	[tilespmem:v5+s15+$0x0] =	vst.idx.msk $0xffff, v54;
	v5 =	vmul.f32 $8.000000000e+00, v49;
	v58 =	vld [tilespmem:s22+$0x30]  }
0xed: {  	v56 =	vmul.f32 $8.000000000e+00, v21;
	v60 =	vadd.s32 v3, v23;
	[tilespmem:v4+s15+$0x0] =	vst.idx.msk $0xffff, v14  }
0xee: {  	v61 =	vadd.s32 v3, v26;
	[tilespmem:v52+s15+$0x0] =	vst.idx.msk $0xffff, v5;
	v5 =	vmul.f32 $8.000000000e+00, v10  }
0xef: {  	s20 =	sadd.s32 s5, s20;
	[tilespmem:v50+s15+$0x0] =	vst.idx.msk $0xffff, v56;
	v63 =	vmul.f32 $8.000000000e+00, v59  }
0xf0: {  	s25 =	sshll.u32 s20, $0x7;
	v4 =	vmul.f32 $8.000000000e+00, v55;
	[tilespmem:v57+s15+$0x0] =	vst.idx.msk $0xffff, v5  }
0xf1: {  	s20 =	sshll.u32 s20, $0xA;
	s21 =	sand.u32 $0xF80, s25;
	v5 =	vmul.f32 $8.000000000e+00, v58;
	[tilespmem:v62+s15+$0x0] =	vst.idx.msk $0xffff, v63  }
0xf2: {  	s20 =	sand.u32 $0xFFF8000, s20;
	s21 =	sadd.s32 s2, s21;
	[tilespmem:v60+s15+$0x0] =	vst.idx.msk $0xffff, v4  }
0xf3: {  	s26 =	simm.s32 $0xC600;
	s21 =	sadd.s32 s20, s21;
	[tilespmem:v61+s15+$0x0] =	vst.idx.msk $0xffff, v5  }
0xf4: {  	[hbm4b:s21+s3] =	stream.linear.scatter [tilespmem:s26], [sflag:$0x4], $0x80, $0x38;
	[tilespmem:$0xE800] =	vst v63  }
0xf5: {  	s28 =	simm.s32 $0xC688;
	s29 =	sadd.s32 $0x10, s21  }
0xf6: {  	[hbm4b:s29+s3] =	stream.linear.scatter [tilespmem:s28], [sflag:$0x4], $0x80, $0x38;
	[tilespmem:$0xE800] =	vst v63  }
0xf7: {  	s30 =	simm.s32 $0xC710;
	s23 =	simm.s32 $0xC798;
	s31 =	sadd.s32 $0x20, s21  }
0xf8: {  	[hbm4b:s31+s3] =	stream.linear.scatter [tilespmem:s30], [sflag:$0x4], $0x80, $0x38;
	[tilespmem:$0xE800] =	vst v63  }
0xf9: {  	s25 =	simm.s32 $0xC820;
	s20 =	simm.s32 $0x440;
	s24 =	sadd.s32 $0x30, s21  }
0xfa: {  	[hbm4b:s24+s3] =	stream.linear.scatter [tilespmem:s23], [sflag:$0x4], $0x80, $0x38;
	[tilespmem:$0xE800] =	vst v63  }
0xfb: {  	s22 =	simm.s32 $0x2200;
	s26 =	sadd.s32 $0x40, s21;
	s28 =	simm.s32 $0xC8A8  }
0xfc: {  	[hbm4b:s26+s3] =	stream.linear.scatter [tilespmem:s25], [sflag:$0x4], $0x80, $0x38;
	[tilespmem:$0xE800] =	vst v63  }
0xfd: {  	s29 =	sadd.s32 $0x50, s21;
	s30 =	simm.s32 $0xC930;
	s31 =	sadd.s32 $0x60, s21  }
0xfe: {  	[hbm4b:s29+s3] =	stream.linear.scatter [tilespmem:s28], [sflag:$0x4], $0x80, $0x38;
	[tilespmem:$0xE800] =	vst v63  }
0xff: {  	s23 =	simm.s32 $0xC9B8;
	s24 =	sadd.s32 $0x70, s21;
	s21 =	sadd.s32 $0x1000, s21  }
0x100: {  	[hbm4b:s31+s3] =	stream.linear.scatter [tilespmem:s30], [sflag:$0x4], $0x80, $0x38;
	[tilespmem:$0xE800] =	vst v63  }
.LBB2_9:
0x101: {  	[hbm4b:s24+s3] =	stream.linear.scatter [tilespmem:s23], [sflag:$0x4], $0x80, $0x38;
	[tilespmem:$0xE800] =	vst v63  }
0x102: {  	s23 =	smov.u32 s20;
	s20 =	smov.u32 s22  }
0x103: {  	s25 =	sadd.s32 $0x1100, s22;
	s20 =	sshra.s32 s20, $0x2;
	s24 =	sadd.s32 $0xC600, s23  }
0x104: {  	[hbm4b:s21+s3] =	stream.linear.scatter [tilespmem:s24], [sflag:$0x4], $0x80, $0x38;
	[tilespmem:$0xE800] =	vst v63  }
0x105: {  	p0 =	sne.s32 s22, $0x7700;
	s22 =	sadd.s32 $0xC688, s23;
	s24 =	sadd.s32 $0x10, s21  }
0x106: {  	[hbm4b:s24+s3] =	stream.linear.scatter [tilespmem:s22], [sflag:$0x4], $0x80, $0x38;
	[tilespmem:$0xE800] =	vst v63  }
0x107: {  	s22 =	sadd.s32 $0xC710, s23;
	s24 =	sadd.s32 $0x20, s21  }
0x108: {  	[hbm4b:s24+s3] =	stream.linear.scatter [tilespmem:s22], [sflag:$0x4], $0x80, $0x38;
	[tilespmem:$0xE800] =	vst v63  }
0x109: {  	s22 =	sadd.s32 $0xC798, s23;
	s24 =	sadd.s32 $0x30, s21  }
0x10a: {  	[hbm4b:s24+s3] =	stream.linear.scatter [tilespmem:s22], [sflag:$0x4], $0x80, $0x38;
	[tilespmem:$0xE800] =	vst v63  }
0x10b: {  	s22 =	sadd.s32 $0xC820, s23;
	s24 =	sadd.s32 $0x40, s21  }
0x10c: {  	[hbm4b:s24+s3] =	stream.linear.scatter [tilespmem:s22], [sflag:$0x4], $0x80, $0x38;
	[tilespmem:$0xE800] =	vst v63  }
.Ltmp3:
0x10d: {  	s22 =	sadd.s32 $0xC8A8, s23;
	s24 =	sadd.s32 $0x50, s21;
	(pc) =	sbr.rel @p0 .LBB2_9-.Ltmp3, $4  }
0x10e: {  	[hbm4b:s24+s3] =	stream.linear.scatter [tilespmem:s22], [sflag:$0x4], $0x80, $0x38;
	[tilespmem:$0xE800] =	vst v63  }
0x10f: {  	s22 =	sadd.s32 $0xC930, s23;
	s24 =	sadd.s32 $0x60, s21;
	s23 =	sadd.s32 $0xC9B8, s23  }
0x110: {  	[hbm4b:s24+s3] =	stream.linear.scatter [tilespmem:s22], [sflag:$0x4], $0x80, $0x38;
	[tilespmem:$0xE800] =	vst v63  }
0x111: {  	s24 =	sadd.s32 $0x70, s21;
	s21 =	sadd.s32 $0x1000, s21;
	s22 =	smov.u32 s25  }
0x112: {  	[hbm4b:s24+s3] =	stream.linear.scatter [tilespmem:s23], [sflag:$0x4], $0x80, $0x38;
	[tilespmem:$0xE800] =	vst v63  }
0x113: {  	s22 =	sadd.s32 $0xC600, s20  }
0x114: {  	[hbm4b:s21+s3] =	stream.linear.scatter [tilespmem:s22], [sflag:$0x4], $0x80, $0x38;
	[tilespmem:$0xE800] =	vst v63  }
0x115: {  	s25 =	sadd.s32 $0xC688, s20;
	s26 =	sadd.s32 $0x10, s21  }
0x116: {  	[hbm4b:s26+s3] =	stream.linear.scatter [tilespmem:s25], [sflag:$0x4], $0x80, $0x38;
	[tilespmem:$0xE800] =	vst v63  }
0x117: {  	s28 =	sadd.s32 $0xC710, s20;
	s29 =	sadd.s32 $0x20, s21  }
0x118: {  	[hbm4b:s29+s3] =	stream.linear.scatter [tilespmem:s28], [sflag:$0x4], $0x80, $0x38;
	[tilespmem:$0xE800] =	vst v63  }
0x119: {  	s30 =	sadd.s32 $0xC798, s20;
	s31 =	sadd.s32 $0x30, s21  }
0x11a: {  	[hbm4b:s31+s3] =	stream.linear.scatter [tilespmem:s30], [sflag:$0x4], $0x80, $0x38;
	[tilespmem:$0xE800] =	vst v63  }
0x11b: {  	s23 =	sadd.s32 $0xC820, s20;
	s24 =	sadd.s32 $0x40, s21;
	s19 =	sadd.s32 $0x1, s19  }
0x11c: {  	[hbm4b:s24+s3] =	stream.linear.scatter [tilespmem:s23], [sflag:$0x4], $0x80, $0x38;
	[tilespmem:$0xE800] =	vst v63  }
0x11d: {  	p0 =	sne.s32 s19, $0x64;
	s25 =	sadd.s32 $0xC8A8, s20;
	s26 =	sadd.s32 $0x50, s21  }
0x11e: {  	[hbm4b:s26+s3] =	stream.linear.scatter [tilespmem:s25], [sflag:$0x4], $0x80, $0x38;
	[tilespmem:$0xE800] =	vst v63  }
.Ltmp4:
0x11f: {  	_ = 	snop;
	(pc) =	sbr.rel @p0 .LBB2_2-.Ltmp4, $4  }
0x120: {  	s28 =	sadd.s32 $0xC930, s20;
	s29 =	sadd.s32 $0x60, s21  }
0x121: {  	[hbm4b:s29+s3] =	stream.linear.scatter [tilespmem:s28], [sflag:$0x4], $0x80, $0x38;
	[tilespmem:$0xE800] =	vst v63  }
0x122: {  	s30 =	sadd.s32 $0xC9B8, s20;
	s31 =	sadd.s32 $0x70, s21  }
0x123: {  	[hbm4b:s31+s3] =	stream.linear.scatter [tilespmem:s30], [sflag:$0x4], $0x80, $0x38;
	[tilespmem:$0xE800] =	vst v63  }
0x124: {  	s18 =	sadd.s32 $0x1, s18  }
0x125: {  	_ =	swait.ge [sflag:s16], $0x2000;
	p0 =	sne.s32 s18, s7  }
.Ltmp5:
0x126: {  	[sflag:s16] =	ssyncset.done $0x0;
	(pc) =	sbr.rel @p0 .LBB2_1-.Ltmp5, $4  }
0x127: {  	[sflag:s16] =	ssyncadd.s32 $0xFFFFE000  }
0x128: {  	_ =	swait.ge [sflag:s17], $0x2000  }
0x129: {  	[sflag:s17] =	ssyncset.done $0x0  }
0x12a: {  	[sflag:s17] =	ssyncadd.s32 $0xFFFFE000  }
0x12b: {  	_ =	sfence.sel $0x180000  }
0x12c: {  	[bflag:$0x0] =	sbarrier.arrive $0xFFFF  }
0x12d: {  	p0 =	sne.s32 s0, $0x0;
	_ =	strace $0x90000047  }
0x12e: {  	s0 =	sadd.s32 @!p0 $0x100000, s1;
	[bflag:$0x2] =	sbarrier.arrive $0xFFFF  }
0x12f: {  	[sflag:s0] =	ssyncadd.tile.s32 @!p0 $0x1;
	_ =	shalt  }
.Lfunc_end2:
_tile_overlayer_lowered:
.L_overlay_start_2:
0x130: {  	(tag) =	ssettag $0x2  }
0x131: {  	s0 =	rddreg [dreg:$0x0];
	s2 =	stileid.u32  }
0x132: {  	s1 =	rddreg [dreg:$0x1];
	p0 =	sne.s32 s2, $0x0  }
0x133: {  	s3 =	rddreg [dreg:$0x2];
	[bflag:$0x3] =	sbarrier.arrive $0xFFFF;
	s2 =	simm.s32 @!p0 $0x1C05  }
0x134: {  	[timem:s3], [sflag:s2] =	dma.local @!p0 [hbm:s0], s1  }
0x135: {  	s0 =	simm.s32 @!p0 $0x5  }
0x136: {  	_ =	swait.ge @!p0 [sflag:s0], s1  }
0x137: {  	s1 =	ssub.s32 @!p0 $0x0, s1;
	[sflag:s0] =	ssyncset.done @!p0 $0x0  }
0x138: {  	[sflag:s0] =	ssyncadd.s32 @!p0 s1  }
0x139: {  	[bflag:$0x3] =	sbarrier.arrive $0xFFFF  }
0x13a: {  	_ =	shalt  }

</sc_bundles>
